<compile_context>
chip_gen: v7x
topology: tpu7x:2x2x1
jax: 0.10.2.dev20260603
libtpu: 0.0.44.dev20260713+nightly
codegen_flags: <defaults>
</compile_context>

<pallas_src>
import functools

import jax
import jax.numpy as jnp
from jax import lax
from jax.experimental import pallas as pl
from jax.experimental.pallas import tpu as pltpu
from jax.experimental.pallas import tpu_sc as plsc



def _topk_body(x_flat_ref, x_ref, out_ref, *, N, R, K):
    cand = x_flat_ref[...]
    q = x_ref[...]
    inner = jnp.dot(cand, q, preferred_element_type=jnp.float32)
    xx_c = jnp.sum(cand * cand, axis=1, keepdims=True)
    xx_q = jnp.sum(q * q, axis=0, keepdims=True)
    d = 2.0 * inner - xx_c - xx_q
    iota = lax.broadcasted_iota(jnp.int32, (N, R), 0)
    m = jnp.max(d, axis=0, keepdims=True)
    for i in range(K):
        j = jnp.min(jnp.where(d == m, iota, N), axis=0, keepdims=True)
        out_ref[i : i + 1, :] = j
        if i + 1 < K:
            d = jnp.where(iota == j, -jnp.inf, d)
            m = jnp.max(d, axis=0, keepdims=True)


def _topk_indices_1b(x_b, x_flat_b, K, R):
    F, N = x_b.shape
    return pl.pallas_call(
        functools.partial(_topk_body, N=N, R=R, K=K),
        grid=(N // R,),
        in_specs=[
            pl.BlockSpec((N, F), lambda t: (0, 0)),
            pl.BlockSpec((F, R), lambda t: (0, t)),
        ],
        out_specs=pl.BlockSpec((K, R), lambda t: (0, t)),
        out_shape=jax.ShapeDtypeStruct((K, N), jnp.int32),
    )(x_flat_b, x_b)



def _sc_gather(x_flat, idx_flat, F):
    total = idx_flat.shape[0]
    NW = 32
    CH = 128
    per_w = total // NW
    n_chunks = per_w // CH
    mesh = plsc.VectorSubcoreMesh(core_axis_name="c", subcore_axis_name="s")

    @functools.partial(
        pl.kernel,
        mesh=mesh,
        compiler_params=pltpu.CompilerParams(use_tc_tiling_on_sc=False),
        out_type=jax.ShapeDtypeStruct((total, F), jnp.float32),
        scratch_types=[
            pltpu.VMEM((CH,), jnp.int32),
            pltpu.VMEM((CH, F), jnp.float32),
            pltpu.SemaphoreType.DMA,
        ],
    )
    def gather_kernel(table_hbm, idx_hbm, out_hbm, idx_v, rows_v, sem):
        wid = lax.axis_index("s") * 2 + lax.axis_index("c")
        base = wid * per_w

        def body(g, carry):
            start = base + g * CH
            pltpu.sync_copy(idx_hbm.at[pl.ds(start, CH)], idx_v)
            pltpu.async_copy(table_hbm.at[idx_v], rows_v, sem).wait()
            pltpu.sync_copy(rows_v, out_hbm.at[pl.ds(start, CH)])
            return carry

        lax.fori_loop(0, n_chunks, body, 0)

    return gather_kernel(x_flat, idx_flat)



def _mix_body(g_ref, at_ref, w4_ref, b_ref, out_ref, *, K, P, F, OC):
    g = g_ref[...].reshape(K, P * F)
    at = at_ref[...]
    s = jnp.dot(at, g, preferred_element_type=jnp.float32)
    e = jnp.where(s > 0.0, s, jnp.exp(s) - 1.0)
    e3 = e.reshape(K, P, F)
    acc = jnp.zeros((OC, P), dtype=jnp.float32)
    for j in range(K):
        acc = acc + lax.dot_general(
            w4_ref[j], e3[j],
            (((1,), (1,)), ((), ())),
            preferred_element_type=jnp.float32,
        )
    out_ref[...] = acc + b_ref[...]


def _mix_project_1b(G, At, W4, bias, N, P):
    K, _, F = G.shape
    OC = W4.shape[1]
    return pl.pallas_call(
        functools.partial(_mix_body, K=K, P=P, F=F, OC=OC),
        grid=(N // P,),
        in_specs=[
            pl.BlockSpec((K, P, F), lambda t: (0, t, 0)),
            pl.BlockSpec((K, K), lambda t: (0, 0)),
            pl.BlockSpec((K, OC, F), lambda t: (0, 0, 0)),
            pl.BlockSpec((OC, 1), lambda t: (0, 0)),
        ],
        out_specs=pl.BlockSpec((OC, P), lambda t: (0, t)),
        out_shape=jax.ShapeDtypeStruct((OC, N), jnp.float32),
    )(G, At, W4, bias)



def kernel(x, adjweight, W, b, spiral_size):
    B, F, N = x.shape
    OC = W.shape[0]
    K = adjweight.shape[0]

    xt = jnp.transpose(x, (0, 2, 1))
    At = jnp.transpose(adjweight)
    W4 = jnp.transpose(W.reshape(OC, F, K), (2, 0, 1))
    bias = b.reshape(OC, 1)

    idx = [_topk_indices_1b(x[i], xt[i], K, R=256) for i in range(B)]
    Gs = [_sc_gather(xt[i], idx[i].reshape(-1), F).reshape(K, N, F)
          for i in range(B)]
    outs = [_mix_project_1b(Gs[i], At, W4, bias, N, P=512) for i in range(B)]
    return jnp.stack(outs)

# --- scband reference (transcript-rebuilt; emitter-appended) ---
"""Pipeline reference for scband-scan-conv-77429670412661 (READ-ONLY COPY).

The authoritative reference and input builder live on the scoring server;
editing this copy changes nothing except your own understanding.
"""

import jax, jax.numpy as jnp
import numpy as np


def _knn(x, k):
    # x: [B, F, N]
    xt = jnp.transpose(x, (0, 2, 1))
    inner = -2.0 * jnp.matmul(xt, x)
    xx = jnp.sum(x ** 2, axis=1, keepdims=True)  # [B,1,N]
    pairwise = -xx - inner - jnp.transpose(xx, (0, 2, 1))
    _, idx = jax.lax.top_k(pairwise, k)
    return idx  # [B, N, k]


def setup_inputs(seed: int = 0) -> dict:
    key = jax.random.key(seed)
    k1, k2 = jax.random.split(key, 2)
    B, F_, N = 2, 64, 4096
    spiral = 20
    out_c = 64
    x = jax.random.normal(k1, (B, F_, N), dtype=jnp.float32)
    adjweight = jnp.eye(spiral, dtype=jnp.float32)
    bound = 1.0 / np.sqrt(F_ * spiral)
    W = jax.random.uniform(k2, (out_c, F_ * spiral), dtype=jnp.float32, minval=-bound, maxval=bound)
    b = jnp.zeros((out_c,), dtype=jnp.float32)
    return {"x": x, "adjweight": adjweight, "W": W, "b": b, "spiral_size": spiral}


def reference(x, adjweight, W, b, spiral_size):
    B, F_, N = x.shape
    out_c = W.shape[0]
    k = adjweight.shape[0]
    idx = _knn(x, k)  # [B, N, k]
    x_flat = jnp.transpose(x, (0, 2, 1)).reshape(B * N, F_)
    idx_base = (jnp.arange(B, dtype=idx.dtype) * N).reshape(B, 1, 1)
    spiral_zero = (jnp.asarray(spiral_size) * 0).astype(idx.dtype)
    spirals_index = (idx + idx_base).reshape(-1) + spiral_zero
    spirals = jnp.take(x_flat, spirals_index, axis=0).reshape(B * N, k, F_)
    spirals = jnp.transpose(spirals, (0, 2, 1))  # [B*N, F, k]
    spirals = jnp.matmul(spirals, adjweight)  # [B*N, F, k]
    spirals = jax.nn.elu(spirals.reshape(B * N, F_ * k))
    out_feat = (spirals @ W.T + b).reshape(B, N, out_c)
    out_feat = jnp.transpose(out_feat, (0, 2, 1))
    return out_feat

if __name__ == "__main__":
    import jax
    _d = setup_inputs()
    print(jax.jit(kernel)(*tuple(_d.values())))

</pallas_src>

<mosaic_0001>
#map = affine_map<(d0, d1) -> (0, 0)>
#map1 = affine_map<(d0, d1) -> (0)>
module attributes {stable_mosaic.version = 14 : i64} {
  func.func @gather_kernel(%arg0: i32, %arg1: i32, %arg2: memref<4096x64xf32, #tpu.memory_space<hbm>>, %arg3: memref<81920xi32, #tpu.memory_space<hbm>>, %arg4: memref<81920x64xf32, #tpu.memory_space<hbm>>, %arg5: memref<128xi32, #tpu.memory_space<vmem>>, %arg6: memref<128x64xf32, #tpu.memory_space<vmem>>, %arg7: memref<!tpu.dma_semaphore, #tpu.memory_space<semaphore_mem>>) attributes {dimension_semantics = [#tpu.dimension_semantics<core_parallel>, #tpu.dimension_semantics<subcore_parallel>], iteration_bounds = array<i64: 2, 16>, scalar_prefetch = 0 : i64, scratch_operands = 3 : i64, tpu.core_type = #tpu.core_type<sc_vector_subcore>, window_params = [{transform_indices = #map}, {transform_indices = #map1}, {transform_indices = #map}]} {
    %mul3A = arith.constant 2 : i32
    %mul3A_0 = arith.muli %arg1, %mul3A : i32
    %add3A = arith.addi %mul3A_0, %arg0 : i32
    %mul3A_1 = arith.constant 2560 : i32
    %mul3A_2 = arith.muli %add3A, %mul3A_1 : i32
    %scan3A = arith.constant 0 : i32
    %scan3A_3 = arith.constant 0 : i32
    %scan3A_4 = arith.constant 20 : i32
    %scan3A_5 = arith.addi %scan3A_3, %scan3A_4 : i32
    %scan3A_6 = arith.constant 1 : i32
    scf.for %scan3A_8 = %scan3A_3 to %scan3A_5 step %scan3A_6  : i32 {
      %mul3A_9 = arith.constant 128 : i32
      %mul3A_10 = arith.muli %scan3A_8, %mul3A_9 : i32
      %add3A_11 = arith.addi %mul3A_2, %mul3A_10 : i32
      "tpu.region"() ({
        %run_scoped3A = tpu.sem_alloc : memref<!tpu.dma_semaphore, #tpu.memory_space<semaphore_mem>>
        %dma_start3A_16 = tpu.memref_slice %arg3[%add3A_11] : memref<81920xi32, #tpu.memory_space<hbm>> -> memref<128xi32, #tpu.memory_space<hbm>>
        %dma_start3A_17 = tpu.memref_slice %arg3[%add3A_11] : memref<81920xi32, #tpu.memory_space<hbm>> -> memref<128xi32, #tpu.memory_space<hbm>>
        tpu.enqueue_dma source(%dma_start3A_17 : memref<128xi32, #tpu.memory_space<hbm>>) target(%arg5 : memref<128xi32, #tpu.memory_space<vmem>>) target_semaphore(%run_scoped3A : memref<!tpu.dma_semaphore, #tpu.memory_space<semaphore_mem>>)
        %dma_wait3A_18 = tpu.memref_slice %arg3[%add3A_11] : memref<81920xi32, #tpu.memory_space<hbm>> -> memref<128xi32, #tpu.memory_space<hbm>>
        %dma_wait3A_19 = tpu.memref_slice %arg3[%add3A_11] : memref<81920xi32, #tpu.memory_space<hbm>> -> memref<128xi32, #tpu.memory_space<hbm>>
        tpu.wait_dma2 semaphore(%run_scoped3A : memref<!tpu.dma_semaphore, #tpu.memory_space<semaphore_mem>>) src(%dma_wait3A_19 : memref<128xi32, #tpu.memory_space<hbm>>) dst(%arg5 : memref<128xi32, #tpu.memory_space<vmem>>)
        tpu.yield
      }) : () -> ()
      %dma_start3A = arith.constant 0 : i32
      %dma_start3A_12 = arith.constant 0 : i32
      %dma_start3A_13 = tpu.memref_slice %arg2[%dma_start3A, %dma_start3A_12] : memref<4096x64xf32, #tpu.memory_space<hbm>> -> memref<4096x64xf32, #tpu.memory_space<hbm>>
      tpu.enqueue_indirect_dma source(%dma_start3A_13 : memref<4096x64xf32, #tpu.memory_space<hbm>>) target(%arg6 : memref<128x64xf32, #tpu.memory_space<vmem>>) offsets(%arg5 : memref<128xi32, #tpu.memory_space<vmem>>) semaphore(%arg7 : memref<!tpu.dma_semaphore, #tpu.memory_space<semaphore_mem>>)
      %dma_wait3A = arith.constant 0 : i32
      %dma_wait3A_14 = arith.constant 0 : i32
      %dma_wait3A_15 = tpu.memref_slice %arg2[%dma_wait3A, %dma_wait3A_14] : memref<4096x64xf32, #tpu.memory_space<hbm>> -> memref<4096x64xf32, #tpu.memory_space<hbm>>
      tpu.wait_indirect_dma semaphore(%arg7 : memref<!tpu.dma_semaphore, #tpu.memory_space<semaphore_mem>>) src(%dma_wait3A_15 : memref<4096x64xf32, #tpu.memory_space<hbm>>) dst(%arg6 : memref<128x64xf32, #tpu.memory_space<vmem>>)
      "tpu.region"() ({
        %run_scoped3A = tpu.sem_alloc : memref<!tpu.dma_semaphore, #tpu.memory_space<semaphore_mem>>
        %dma_start3A_16 = arith.constant 0 : i32
        %dma_start3A_17 = tpu.memref_slice %arg4[%add3A_11, %dma_start3A_16] : memref<81920x64xf32, #tpu.memory_space<hbm>> -> memref<128x64xf32, #tpu.memory_space<hbm>>
        %dma_start3A_18 = arith.constant 0 : i32
        %dma_start3A_19 = tpu.memref_slice %arg4[%add3A_11, %dma_start3A_18] : memref<81920x64xf32, #tpu.memory_space<hbm>> -> memref<128x64xf32, #tpu.memory_space<hbm>>
        tpu.enqueue_dma source(%arg6 : memref<128x64xf32, #tpu.memory_space<vmem>>) target(%dma_start3A_19 : memref<128x64xf32, #tpu.memory_space<hbm>>) target_semaphore(%run_scoped3A : memref<!tpu.dma_semaphore, #tpu.memory_space<semaphore_mem>>)
        %dma_wait3A_20 = arith.constant 0 : i32
        %dma_wait3A_21 = tpu.memref_slice %arg4[%add3A_11, %dma_wait3A_20] : memref<81920x64xf32, #tpu.memory_space<hbm>> -> memref<128x64xf32, #tpu.memory_space<hbm>>
        %dma_wait3A_22 = arith.constant 0 : i32
        %dma_wait3A_23 = tpu.memref_slice %arg4[%add3A_11, %dma_wait3A_22] : memref<81920x64xf32, #tpu.memory_space<hbm>> -> memref<128x64xf32, #tpu.memory_space<hbm>>
        tpu.wait_dma2 semaphore(%run_scoped3A : memref<!tpu.dma_semaphore, #tpu.memory_space<semaphore_mem>>) src(%arg6 : memref<128x64xf32, #tpu.memory_space<vmem>>) dst(%dma_wait3A_23 : memref<128x64xf32, #tpu.memory_space<hbm>>)
        tpu.yield
      }) : () -> ()
    }
    %scan3A_7 = arith.constant 20 : i32
    return
  }
}

#map = affine_map<(d0, d1) -> (0, 0)>
#map1 = affine_map<(d0, d1) -> (0)>
module attributes {stable_mosaic.version = 14 : i64} {
  func.func @gather_kernel(%arg0: i32, %arg1: i32, %arg2: memref<4096x64xf32, #tpu.memory_space<hbm>>, %arg3: memref<81920xi32, #tpu.memory_space<hbm>>, %arg4: memref<81920x64xf32, #tpu.memory_space<hbm>>, %arg5: memref<128xi32, #tpu.memory_space<vmem>>, %arg6: memref<128x64xf32, #tpu.memory_space<vmem>>, %arg7: memref<!tpu.dma_semaphore, #tpu.memory_space<semaphore_mem>>) attributes {dimension_semantics = [#tpu.dimension_semantics<core_parallel>, #tpu.dimension_semantics<subcore_parallel>], iteration_bounds = array<i64: 2, 16>, scalar_prefetch = 0 : i64, scratch_operands = 3 : i64, tpu.core_type = #tpu.core_type<sc_vector_subcore>, window_params = [{transform_indices = #map}, {transform_indices = #map1}, {transform_indices = #map}]} {
    %mul3A = arith.constant 2 : i32
    %mul3A_0 = arith.muli %arg1, %mul3A : i32
    %add3A = arith.addi %mul3A_0, %arg0 : i32
    %mul3A_1 = arith.constant 2560 : i32
    %mul3A_2 = arith.muli %add3A, %mul3A_1 : i32
    %scan3A = arith.constant 0 : i32
    %scan3A_3 = arith.constant 0 : i32
    %scan3A_4 = arith.constant 20 : i32
    %scan3A_5 = arith.addi %scan3A_3, %scan3A_4 : i32
    %scan3A_6 = arith.constant 1 : i32
    scf.for %scan3A_8 = %scan3A_3 to %scan3A_5 step %scan3A_6  : i32 {
      %mul3A_9 = arith.constant 128 : i32
      %mul3A_10 = arith.muli %scan3A_8, %mul3A_9 : i32
      %add3A_11 = arith.addi %mul3A_2, %mul3A_10 : i32
      "tpu.region"() ({
        %run_scoped3A = tpu.sem_alloc : memref<!tpu.dma_semaphore, #tpu.memory_space<semaphore_mem>>
        %dma_start3A_16 = tpu.memref_slice %arg3[%add3A_11] : memref<81920xi32, #tpu.memory_space<hbm>> -> memref<128xi32, #tpu.memory_space<hbm>>
        %dma_start3A_17 = tpu.memref_slice %arg3[%add3A_11] : memref<81920xi32, #tpu.memory_space<hbm>> -> memref<128xi32, #tpu.memory_space<hbm>>
        tpu.enqueue_dma source(%dma_start3A_17 : memref<128xi32, #tpu.memory_space<hbm>>) target(%arg5 : memref<128xi32, #tpu.memory_space<vmem>>) target_semaphore(%run_scoped3A : memref<!tpu.dma_semaphore, #tpu.memory_space<semaphore_mem>>)
        %dma_wait3A_18 = tpu.memref_slice %arg3[%add3A_11] : memref<81920xi32, #tpu.memory_space<hbm>> -> memref<128xi32, #tpu.memory_space<hbm>>
        %dma_wait3A_19 = tpu.memref_slice %arg3[%add3A_11] : memref<81920xi32, #tpu.memory_space<hbm>> -> memref<128xi32, #tpu.memory_space<hbm>>
        tpu.wait_dma2 semaphore(%run_scoped3A : memref<!tpu.dma_semaphore, #tpu.memory_space<semaphore_mem>>) src(%dma_wait3A_19 : memref<128xi32, #tpu.memory_space<hbm>>) dst(%arg5 : memref<128xi32, #tpu.memory_space<vmem>>)
        tpu.yield
      }) : () -> ()
      %dma_start3A = arith.constant 0 : i32
      %dma_start3A_12 = arith.constant 0 : i32
      %dma_start3A_13 = tpu.memref_slice %arg2[%dma_start3A, %dma_start3A_12] : memref<4096x64xf32, #tpu.memory_space<hbm>> -> memref<4096x64xf32, #tpu.memory_space<hbm>>
      tpu.enqueue_indirect_dma source(%dma_start3A_13 : memref<4096x64xf32, #tpu.memory_space<hbm>>) target(%arg6 : memref<128x64xf32, #tpu.memory_space<vmem>>) offsets(%arg5 : memref<128xi32, #tpu.memory_space<vmem>>) semaphore(%arg7 : memref<!tpu.dma_semaphore, #tpu.memory_space<semaphore_mem>>)
      %dma_wait3A = arith.constant 0 : i32
      %dma_wait3A_14 = arith.constant 0 : i32
      %dma_wait3A_15 = tpu.memref_slice %arg2[%dma_wait3A, %dma_wait3A_14] : memref<4096x64xf32, #tpu.memory_space<hbm>> -> memref<4096x64xf32, #tpu.memory_space<hbm>>
      tpu.wait_indirect_dma semaphore(%arg7 : memref<!tpu.dma_semaphore, #tpu.memory_space<semaphore_mem>>) src(%dma_wait3A_15 : memref<4096x64xf32, #tpu.memory_space<hbm>>) dst(%arg6 : memref<128x64xf32, #tpu.memory_space<vmem>>)
      "tpu.region"() ({
        %run_scoped3A = tpu.sem_alloc : memref<!tpu.dma_semaphore, #tpu.memory_space<semaphore_mem>>
        %dma_start3A_16 = arith.constant 0 : i32
        %dma_start3A_17 = tpu.memref_slice %arg4[%add3A_11, %dma_start3A_16] : memref<81920x64xf32, #tpu.memory_space<hbm>> -> memref<128x64xf32, #tpu.memory_space<hbm>>
        %dma_start3A_18 = arith.constant 0 : i32
        %dma_start3A_19 = tpu.memref_slice %arg4[%add3A_11, %dma_start3A_18] : memref<81920x64xf32, #tpu.memory_space<hbm>> -> memref<128x64xf32, #tpu.memory_space<hbm>>
        tpu.enqueue_dma source(%arg6 : memref<128x64xf32, #tpu.memory_space<vmem>>) target(%dma_start3A_19 : memref<128x64xf32, #tpu.memory_space<hbm>>) target_semaphore(%run_scoped3A : memref<!tpu.dma_semaphore, #tpu.memory_space<semaphore_mem>>)
        %dma_wait3A_20 = arith.constant 0 : i32
        %dma_wait3A_21 = tpu.memref_slice %arg4[%add3A_11, %dma_wait3A_20] : memref<81920x64xf32, #tpu.memory_space<hbm>> -> memref<128x64xf32, #tpu.memory_space<hbm>>
        %dma_wait3A_22 = arith.constant 0 : i32
        %dma_wait3A_23 = tpu.memref_slice %arg4[%add3A_11, %dma_wait3A_22] : memref<81920x64xf32, #tpu.memory_space<hbm>> -> memref<128x64xf32, #tpu.memory_space<hbm>>
        tpu.wait_dma2 semaphore(%run_scoped3A : memref<!tpu.dma_semaphore, #tpu.memory_space<semaphore_mem>>) src(%arg6 : memref<128x64xf32, #tpu.memory_space<vmem>>) dst(%dma_wait3A_23 : memref<128x64xf32, #tpu.memory_space<hbm>>)
        tpu.yield
      }) : () -> ()
    }
    %scan3A_7 = arith.constant 20 : i32
    return
  }
}

module attributes {stable_mosaic.version = 14 : i64} {
  func.func @_topk_body(%arg0: i32, %arg1: memref<4096x64xf32, #tpu.memory_space<vmem>>, %arg2: memref<64x256xf32, #tpu.memory_space<vmem>>, %arg3: memref<20x256xi32, #tpu.memory_space<vmem>>) attributes {dimension_semantics = [#tpu.dimension_semantics<arbitrary>], iteration_bounds = array<i64: 16>, scalar_prefetch = 0 : i64, scratch_operands = 0 : i64, tpu.core_type = #tpu.core_type<tc>, window_params = [{pipeline_mode = #tpu.pipeline_mode<synchronous>, transform_indices = @transform_0, window_bounds = array<i64: 4096, 64>}, {transform_indices = @transform_1, window_bounds = array<i64: 64, 256>}, {transform_indices = @transform_2, window_bounds = array<i64: 20, 256>}]} {
    %get3A = arith.constant 0 : index
    %get3A_0 = arith.constant 0 : index
    %get3A_1 = vector.load %arg1[%get3A, %get3A_0] : memref<4096x64xf32, #tpu.memory_space<vmem>>, vector<4096x64xf32>
    %get3A_2 = arith.constant 0 : index
    %get3A_3 = arith.constant 0 : index
    %get3A_4 = vector.load %arg2[%get3A_2, %get3A_3] : memref<64x256xf32, #tpu.memory_space<vmem>>, vector<64x256xf32>
    %dot_general3A = arith.constant dense<0.000000e+00> : vector<4096x256xf32>
    %dot_general3A_5 = tpu.matmul %get3A_1, %get3A_4, %dot_general3A {dimension_numbers = #tpu.dot_dimension_numbers<[1], [0], [0], [1], [0, 0, 1, 1], [], []>, transpose_lhs_hint = false} : vector<4096x64xf32>, vector<64x256xf32>, vector<4096x256xf32> -> vector<4096x256xf32>
    %mul3A = arith.mulf %get3A_1, %get3A_1 : vector<4096x64xf32>
    %reduce_sum3A = arith.constant dense<0.000000e+00> : vector<4096xf32>
    %reduce_sum3A_6 = vector.multi_reduction <add>, %mul3A, %reduce_sum3A [1] : vector<4096x64xf32> to vector<4096xf32>
    %broadcast_in_dim3A = vector.shape_cast %reduce_sum3A_6 : vector<4096xf32> to vector<4096x1xf32>
    %mul3A_7 = arith.mulf %get3A_4, %get3A_4 : vector<64x256xf32>
    %reduce_sum3A_8 = arith.constant dense<0.000000e+00> : vector<256xf32>
    %reduce_sum3A_9 = vector.multi_reduction <add>, %mul3A_7, %reduce_sum3A_8 [0] : vector<64x256xf32> to vector<256xf32>
    %broadcast_in_dim3A_10 = vector.shape_cast %reduce_sum3A_9 : vector<256xf32> to vector<1x256xf32>
    %mul3A_11 = arith.constant 2.000000e+00 : f32
    %mul3A_12 = vector.broadcast %mul3A_11 : f32 to vector<4096x256xf32>
    %mul3A_13 = arith.mulf %mul3A_12, %dot_general3A_5 : vector<4096x256xf32>
    %sub3A = vector.broadcast %broadcast_in_dim3A : vector<4096x1xf32> to vector<4096x256xf32>
    %sub3A_14 = arith.subf %mul3A_13, %sub3A : vector<4096x256xf32>
    %sub3A_15 = vector.broadcast %broadcast_in_dim3A_10 : vector<1x256xf32> to vector<4096x256xf32>
    %sub3A_16 = arith.subf %sub3A_14, %sub3A_15 : vector<4096x256xf32>
    %iota3A = tpu.iota {dimensions = array<i32: 0>} : vector<4096x256xi32>
    %reduce_max3A = arith.constant dense<0xFF800000> : vector<256xf32>
    %reduce_max3A_17 = vector.multi_reduction <maximumf>, %sub3A_16, %reduce_max3A [0] : vector<4096x256xf32> to vector<256xf32>
    %broadcast_in_dim3A_18 = vector.shape_cast %reduce_max3A_17 : vector<256xf32> to vector<1x256xf32>
    %eq3A = vector.broadcast %broadcast_in_dim3A_18 : vector<1x256xf32> to vector<4096x256xf32>
    %eq3A_19 = arith.cmpf oeq, %sub3A_16, %eq3A : vector<4096x256xf32>
    %jit3A = arith.constant 4096 : i32
    %broadcast_in_dim3A_20 = vector.broadcast %jit3A : i32 to vector<4096x256xi32>
    %select_n3A = arith.select %eq3A_19, %iota3A, %broadcast_in_dim3A_20 : vector<4096x256xi1>, vector<4096x256xi32>
    %reduce_min3A = arith.constant dense<2147483647> : vector<256xi32>
    %reduce_min3A_21 = vector.multi_reduction <minsi>, %select_n3A, %reduce_min3A [0] : vector<4096x256xi32> to vector<256xi32>
    %broadcast_in_dim3A_22 = vector.shape_cast %reduce_min3A_21 : vector<256xi32> to vector<1x256xi32>
    %swap3A = arith.constant 0 : index
    %swap3A_23 = arith.constant 0 : index
    %swap3A_24 = vector.load %arg3[%swap3A, %swap3A_23] : memref<20x256xi32, #tpu.memory_space<vmem>>, vector<1x256xi32>
    tpu.vector_store %arg3[%swap3A, %swap3A_23], %broadcast_in_dim3A_22 {strides = array<i32>} : memref<20x256xi32, #tpu.memory_space<vmem>>, vector<1x256xi32>,
    %eq3A_25 = vector.broadcast %broadcast_in_dim3A_22 : vector<1x256xi32> to vector<4096x256xi32>
    %eq3A_26 = arith.cmpi eq, %iota3A, %eq3A_25 : vector<4096x256xi32>
    %jit3A_27 = arith.constant 0xFF800000 : f32
    %broadcast_in_dim3A_28 = vector.broadcast %jit3A_27 : f32 to vector<4096x256xf32>
    %select_n3A_29 = arith.select %eq3A_26, %broadcast_in_dim3A_28, %sub3A_16 : vector<4096x256xi1>, vector<4096x256xf32>
    %reduce_max3A_30 = arith.constant dense<0xFF800000> : vector<256xf32>
    %reduce_max3A_31 = vector.multi_reduction <maximumf>, %select_n3A_29, %reduce_max3A_30 [0] : vector<4096x256xf32> to vector<256xf32>
    %broadcast_in_dim3A_32 = vector.shape_cast %reduce_max3A_31 : vector<256xf32> to vector<1x256xf32>
    %eq3A_33 = vector.broadcast %broadcast_in_dim3A_32 : vector<1x256xf32> to vector<4096x256xf32>
    %eq3A_34 = arith.cmpf oeq, %select_n3A_29, %eq3A_33 : vector<4096x256xf32>
    %jit3A_35 = arith.constant 4096 : i32
    %broadcast_in_dim3A_36 = vector.broadcast %jit3A_35 : i32 to vector<4096x256xi32>
    %select_n3A_37 = arith.select %eq3A_34, %iota3A, %broadcast_in_dim3A_36 : vector<4096x256xi1>, vector<4096x256xi32>
    %reduce_min3A_38 = arith.constant dense<2147483647> : vector<256xi32>
    %reduce_min3A_39 = vector.multi_reduction <minsi>, %select_n3A_37, %reduce_min3A_38 [0] : vector<4096x256xi32> to vector<256xi32>
    %broadcast_in_dim3A_40 = vector.shape_cast %reduce_min3A_39 : vector<256xi32> to vector<1x256xi32>
    %swap3A_41 = arith.constant 1 : index
    %swap3A_42 = arith.constant 0 : index
    %swap3A_43 = vector.load %arg3[%swap3A_41, %swap3A_42] : memref<20x256xi32, #tpu.memory_space<vmem>>, vector<1x256xi32>
    tpu.vector_store %arg3[%swap3A_41, %swap3A_42], %broadcast_in_dim3A_40 {strides = array<i32>} : memref<20x256xi32, #tpu.memory_space<vmem>>, vector<1x256xi32>,
    %eq3A_44 = vector.broadcast %broadcast_in_dim3A_40 : vector<1x256xi32> to vector<4096x256xi32>
    %eq3A_45 = arith.cmpi eq, %iota3A, %eq3A_44 : vector<4096x256xi32>
    %jit3A_46 = arith.constant 0xFF800000 : f32
    %broadcast_in_dim3A_47 = vector.broadcast %jit3A_46 : f32 to vector<4096x256xf32>
    %select_n3A_48 = arith.select %eq3A_45, %broadcast_in_dim3A_47, %select_n3A_29 : vector<4096x256xi1>, vector<4096x256xf32>
    %reduce_max3A_49 = arith.constant dense<0xFF800000> : vector<256xf32>
    %reduce_max3A_50 = vector.multi_reduction <maximumf>, %select_n3A_48, %reduce_max3A_49 [0] : vector<4096x256xf32> to vector<256xf32>
    %broadcast_in_dim3A_51 = vector.shape_cast %reduce_max3A_50 : vector<256xf32> to vector<1x256xf32>
    %eq3A_52 = vector.broadcast %broadcast_in_dim3A_51 : vector<1x256xf32> to vector<4096x256xf32>
    %eq3A_53 = arith.cmpf oeq, %select_n3A_48, %eq3A_52 : vector<4096x256xf32>
    %jit3A_54 = arith.constant 4096 : i32
    %broadcast_in_dim3A_55 = vector.broadcast %jit3A_54 : i32 to vector<4096x256xi32>
    %select_n3A_56 = arith.select %eq3A_53, %iota3A, %broadcast_in_dim3A_55 : vector<4096x256xi1>, vector<4096x256xi32>
    %reduce_min3A_57 = arith.constant dense<2147483647> : vector<256xi32>
    %reduce_min3A_58 = vector.multi_reduction <minsi>, %select_n3A_56, %reduce_min3A_57 [0] : vector<4096x256xi32> to vector<256xi32>
    %broadcast_in_dim3A_59 = vector.shape_cast %reduce_min3A_58 : vector<256xi32> to vector<1x256xi32>
    %swap3A_60 = arith.constant 2 : index
    %swap3A_61 = arith.constant 0 : index
    %swap3A_62 = vector.load %arg3[%swap3A_60, %swap3A_61] : memref<20x256xi32, #tpu.memory_space<vmem>>, vector<1x256xi32>
    tpu.vector_store %arg3[%swap3A_60, %swap3A_61], %broadcast_in_dim3A_59 {strides = array<i32>} : memref<20x256xi32, #tpu.memory_space<vmem>>, vector<1x256xi32>,
    %eq3A_63 = vector.broadcast %broadcast_in_dim3A_59 : vector<1x256xi32> to vector<4096x256xi32>
    %eq3A_64 = arith.cmpi eq, %iota3A, %eq3A_63 : vector<4096x256xi32>
    %jit3A_65 = arith.constant 0xFF800000 : f32
    %broadcast_in_dim3A_66 = vector.broadcast %jit3A_65 : f32 to vector<4096x256xf32>
    %select_n3A_67 = arith.select %eq3A_64, %broadcast_in_dim3A_66, %select_n3A_48 : vector<4096x256xi1>, vector<4096x256xf32>
    %reduce_max3A_68 = arith.constant dense<0xFF800000> : vector<256xf32>
    %reduce_max3A_69 = vector.multi_reduction <maximumf>, %select_n3A_67, %reduce_max3A_68 [0] : vector<4096x256xf32> to vector<256xf32>
    %broadcast_in_dim3A_70 = vector.shape_cast %reduce_max3A_69 : vector<256xf32> to vector<1x256xf32>
    %eq3A_71 = vector.broadcast %broadcast_in_dim3A_70 : vector<1x256xf32> to vector<4096x256xf32>
    %eq3A_72 = arith.cmpf oeq, %select_n3A_67, %eq3A_71 : vector<4096x256xf32>
    %jit3A_73 = arith.constant 4096 : i32
    %broadcast_in_dim3A_74 = vector.broadcast %jit3A_73 : i32 to vector<4096x256xi32>
    %select_n3A_75 = arith.select %eq3A_72, %iota3A, %broadcast_in_dim3A_74 : vector<4096x256xi1>, vector<4096x256xi32>
    %reduce_min3A_76 = arith.constant dense<2147483647> : vector<256xi32>
    %reduce_min3A_77 = vector.multi_reduction <minsi>, %select_n3A_75, %reduce_min3A_76 [0] : vector<4096x256xi32> to vector<256xi32>
    %broadcast_in_dim3A_78 = vector.shape_cast %reduce_min3A_77 : vector<256xi32> to vector<1x256xi32>
    %swap3A_79 = arith.constant 3 : index
    %swap3A_80 = arith.constant 0 : index
    %swap3A_81 = vector.load %arg3[%swap3A_79, %swap3A_80] : memref<20x256xi32, #tpu.memory_space<vmem>>, vector<1x256xi32>
    tpu.vector_store %arg3[%swap3A_79, %swap3A_80], %broadcast_in_dim3A_78 {strides = array<i32>} : memref<20x256xi32, #tpu.memory_space<vmem>>, vector<1x256xi32>,
    %eq3A_82 = vector.broadcast %broadcast_in_dim3A_78 : vector<1x256xi32> to vector<4096x256xi32>
    %eq3A_83 = arith.cmpi eq, %iota3A, %eq3A_82 : vector<4096x256xi32>
    %jit3A_84 = arith.constant 0xFF800000 : f32
    %broadcast_in_dim3A_85 = vector.broadcast %jit3A_84 : f32 to vector<4096x256xf32>
    %select_n3A_86 = arith.select %eq3A_83, %broadcast_in_dim3A_85, %select_n3A_67 : vector<4096x256xi1>, vector<4096x256xf32>
    %reduce_max3A_87 = arith.constant dense<0xFF800000> : vector<256xf32>
    %reduce_max3A_88 = vector.multi_reduction <maximumf>, %select_n3A_86, %reduce_max3A_87 [0] : vector<4096x256xf32> to vector<256xf32>
    %broadcast_in_dim3A_89 = vector.shape_cast %reduce_max3A_88 : vector<256xf32> to vector<1x256xf32>
    %eq3A_90 = vector.broadcast %broadcast_in_dim3A_89 : vector<1x256xf32> to vector<4096x256xf32>
    %eq3A_91 = arith.cmpf oeq, %select_n3A_86, %eq3A_90 : vector<4096x256xf32>
    %jit3A_92 = arith.constant 4096 : i32
    %broadcast_in_dim3A_93 = vector.broadcast %jit3A_92 : i32 to vector<4096x256xi32>
    %select_n3A_94 = arith.select %eq3A_91, %iota3A, %broadcast_in_dim3A_93 : vector<4096x256xi1>, vector<4096x256xi32>
    %reduce_min3A_95 = arith.constant dense<2147483647> : vector<256xi32>
    %reduce_min3A_96 = vector.multi_reduction <minsi>, %select_n3A_94, %reduce_min3A_95 [0] : vector<4096x256xi32> to vector<256xi32>
    %broadcast_in_dim3A_97 = vector.shape_cast %reduce_min3A_96 : vector<256xi32> to vector<1x256xi32>
    %swap3A_98 = arith.constant 4 : index
    %swap3A_99 = arith.constant 0 : index
    %swap3A_100 = vector.load %arg3[%swap3A_98, %swap3A_99] : memref<20x256xi32, #tpu.memory_space<vmem>>, vector<1x256xi32>
    tpu.vector_store %arg3[%swap3A_98, %swap3A_99], %broadcast_in_dim3A_97 {strides = array<i32>} : memref<20x256xi32, #tpu.memory_space<vmem>>, vector<1x256xi32>,
    %eq3A_101 = vector.broadcast %broadcast_in_dim3A_97 : vector<1x256xi32> to vector<4096x256xi32>
    %eq3A_102 = arith.cmpi eq, %iota3A, %eq3A_101 : vector<4096x256xi32>
    %jit3A_103 = arith.constant 0xFF800000 : f32
    %broadcast_in_dim3A_104 = vector.broadcast %jit3A_103 : f32 to vector<4096x256xf32>
    %select_n3A_105 = arith.select %eq3A_102, %broadcast_in_dim3A_104, %select_n3A_86 : vector<4096x256xi1>, vector<4096x256xf32>
    %reduce_max3A_106 = arith.constant dense<0xFF800000> : vector<256xf32>
    %reduce_max3A_107 = vector.multi_reduction <maximumf>, %select_n3A_105, %reduce_max3A_106 [0] : vector<4096x256xf32> to vector<256xf32>
    %broadcast_in_dim3A_108 = vector.shape_cast %reduce_max3A_107 : vector<256xf32> to vector<1x256xf32>
    %eq3A_109 = vector.broadcast %broadcast_in_dim3A_108 : vector<1x256xf32> to vector<4096x256xf32>
    %eq3A_110 = arith.cmpf oeq, %select_n3A_105, %eq3A_109 : vector<4096x256xf32>
    %jit3A_111 = arith.constant 4096 : i32
    %broadcast_in_dim3A_112 = vector.broadcast %jit3A_111 : i32 to vector<4096x256xi32>
    %select_n3A_113 = arith.select %eq3A_110, %iota3A, %broadcast_in_dim3A_112 : vector<4096x256xi1>, vector<4096x256xi32>
    %reduce_min3A_114 = arith.constant dense<2147483647> : vector<256xi32>
    %reduce_min3A_115 = vector.multi_reduction <minsi>, %select_n3A_113, %reduce_min3A_114 [0] : vector<4096x256xi32> to vector<256xi32>
    %broadcast_in_dim3A_116 = vector.shape_cast %reduce_min3A_115 : vector<256xi32> to vector<1x256xi32>
    %swap3A_117 = arith.constant 5 : index
    %swap3A_118 = arith.constant 0 : index
    %swap3A_119 = vector.load %arg3[%swap3A_117, %swap3A_118] : memref<20x256xi32, #tpu.memory_space<vmem>>, vector<1x256xi32>
    tpu.vector_store %arg3[%swap3A_117, %swap3A_118], %broadcast_in_dim3A_116 {strides = array<i32>} : memref<20x256xi32, #tpu.memory_space<vmem>>, vector<1x256xi32>,
    %eq3A_120 = vector.broadcast %broadcast_in_dim3A_116 : vector<1x256xi32> to vector<4096x256xi32>
    %eq3A_121 = arith.cmpi eq, %iota3A, %eq3A_120 : vector<4096x256xi32>
    %jit3A_122 = arith.constant 0xFF800000 : f32
    %broadcast_in_dim3A_123 = vector.broadcast %jit3A_122 : f32 to vector<4096x256xf32>
    %select_n3A_124 = arith.select %eq3A_121, %broadcast_in_dim3A_123, %select_n3A_105 : vector<4096x256xi1>, vector<4096x256xf32>
    %reduce_max3A_125 = arith.constant dense<0xFF800000> : vector<256xf32>
    %reduce_max3A_126 = vector.multi_reduction <maximumf>, %select_n3A_124, %reduce_max3A_125 [0] : vector<4096x256xf32> to vector<256xf32>
    %broadcast_in_dim3A_127 = vector.shape_cast %reduce_max3A_126 : vector<256xf32> to vector<1x256xf32>
    %eq3A_128 = vector.broadcast %broadcast_in_dim3A_127 : vector<1x256xf32> to vector<4096x256xf32>
    %eq3A_129 = arith.cmpf oeq, %select_n3A_124, %eq3A_128 : vector<4096x256xf32>
    %jit3A_130 = arith.constant 4096 : i32
    %broadcast_in_dim3A_131 = vector.broadcast %jit3A_130 : i32 to vector<4096x256xi32>
    %select_n3A_132 = arith.select %eq3A_129, %iota3A, %broadcast_in_dim3A_131 : vector<4096x256xi1>, vector<4096x256xi32>
    %reduce_min3A_133 = arith.constant dense<2147483647> : vector<256xi32>
    %reduce_min3A_134 = vector.multi_reduction <minsi>, %select_n3A_132, %reduce_min3A_133 [0] : vector<4096x256xi32> to vector<256xi32>
    %broadcast_in_dim3A_135 = vector.shape_cast %reduce_min3A_134 : vector<256xi32> to vector<1x256xi32>
    %swap3A_136 = arith.constant 6 : index
    %swap3A_137 = arith.constant 0 : index
    %swap3A_138 = vector.load %arg3[%swap3A_136, %swap3A_137] : memref<20x256xi32, #tpu.memory_space<vmem>>, vector<1x256xi32>
    tpu.vector_store %arg3[%swap3A_136, %swap3A_137], %broadcast_in_dim3A_135 {strides = array<i32>} : memref<20x256xi32, #tpu.memory_space<vmem>>, vector<1x256xi32>,
    %eq3A_139 = vector.broadcast %broadcast_in_dim3A_135 : vector<1x256xi32> to vector<4096x256xi32>
    %eq3A_140 = arith.cmpi eq, %iota3A, %eq3A_139 : vector<4096x256xi32>
    %jit3A_141 = arith.constant 0xFF800000 : f32
    %broadcast_in_dim3A_142 = vector.broadcast %jit3A_141 : f32 to vector<4096x256xf32>
    %select_n3A_143 = arith.select %eq3A_140, %broadcast_in_dim3A_142, %select_n3A_124 : vector<4096x256xi1>, vector<4096x256xf32>
    %reduce_max3A_144 = arith.constant dense<0xFF800000> : vector<256xf32>
    %reduce_max3A_145 = vector.multi_reduction <maximumf>, %select_n3A_143, %reduce_max3A_144 [0] : vector<4096x256xf32> to vector<256xf32>
    %broadcast_in_dim3A_146 = vector.shape_cast %reduce_max3A_145 : vector<256xf32> to vector<1x256xf32>
    %eq3A_147 = vector.broadcast %broadcast_in_dim3A_146 : vector<1x256xf32> to vector<4096x256xf32>
    %eq3A_148 = arith.cmpf oeq, %select_n3A_143, %eq3A_147 : vector<4096x256xf32>
    %jit3A_149 = arith.constant 4096 : i32
    %broadcast_in_dim3A_150 = vector.broadcast %jit3A_149 : i32 to vector<4096x256xi32>
    %select_n3A_151 = arith.select %eq3A_148, %iota3A, %broadcast_in_dim3A_150 : vector<4096x256xi1>, vector<4096x256xi32>
    %reduce_min3A_152 = arith.constant dense<2147483647> : vector<256xi32>
    %reduce_min3A_153 = vector.multi_reduction <minsi>, %select_n3A_151, %reduce_min3A_152 [0] : vector<4096x256xi32> to vector<256xi32>
    %broadcast_in_dim3A_154 = vector.shape_cast %reduce_min3A_153 : vector<256xi32> to vector<1x256xi32>
    %swap3A_155 = arith.constant 7 : index
    %swap3A_156 = arith.constant 0 : index
    %swap3A_157 = vector.load %arg3[%swap3A_155, %swap3A_156] : memref<20x256xi32, #tpu.memory_space<vmem>>, vector<1x256xi32>
    tpu.vector_store %arg3[%swap3A_155, %swap3A_156], %broadcast_in_dim3A_154 {strides = array<i32>} : memref<20x256xi32, #tpu.memory_space<vmem>>, vector<1x256xi32>,
    %eq3A_158 = vector.broadcast %broadcast_in_dim3A_154 : vector<1x256xi32> to vector<4096x256xi32>
    %eq3A_159 = arith.cmpi eq, %iota3A, %eq3A_158 : vector<4096x256xi32>
    %jit3A_160 = arith.constant 0xFF800000 : f32
    %broadcast_in_dim3A_161 = vector.broadcast %jit3A_160 : f32 to vector<4096x256xf32>
    %select_n3A_162 = arith.select %eq3A_159, %broadcast_in_dim3A_161, %select_n3A_143 : vector<4096x256xi1>, vector<4096x256xf32>
    %reduce_max3A_163 = arith.constant dense<0xFF800000> : vector<256xf32>
    %reduce_max3A_164 = vector.multi_reduction <maximumf>, %select_n3A_162, %reduce_max3A_163 [0] : vector<4096x256xf32> to vector<256xf32>
    %broadcast_in_dim3A_165 = vector.shape_cast %reduce_max3A_164 : vector<256xf32> to vector<1x256xf32>
    %eq3A_166 = vector.broadcast %broadcast_in_dim3A_165 : vector<1x256xf32> to vector<4096x256xf32>
    %eq3A_167 = arith.cmpf oeq, %select_n3A_162, %eq3A_166 : vector<4096x256xf32>
    %jit3A_168 = arith.constant 4096 : i32
    %broadcast_in_dim3A_169 = vector.broadcast %jit3A_168 : i32 to vector<4096x256xi32>
    %select_n3A_170 = arith.select %eq3A_167, %iota3A, %broadcast_in_dim3A_169 : vector<4096x256xi1>, vector<4096x256xi32>
    %reduce_min3A_171 = arith.constant dense<2147483647> : vector<256xi32>
    %reduce_min3A_172 = vector.multi_reduction <minsi>, %select_n3A_170, %reduce_min3A_171 [0] : vector<4096x256xi32> to vector<256xi32>
    %broadcast_in_dim3A_173 = vector.shape_cast %reduce_min3A_172 : vector<256xi32> to vector<1x256xi32>
    %swap3A_174 = arith.constant 8 : index
    %swap3A_175 = arith.constant 0 : index
    %swap3A_176 = vector.load %arg3[%swap3A_174, %swap3A_175] : memref<20x256xi32, #tpu.memory_space<vmem>>, vector<1x256xi32>
    tpu.vector_store %arg3[%swap3A_174, %swap3A_175], %broadcast_in_dim3A_173 {strides = array<i32>} : memref<20x256xi32, #tpu.memory_space<vmem>>, vector<1x256xi32>,
    %eq3A_177 = vector.broadcast %broadcast_in_dim3A_173 : vector<1x256xi32> to vector<4096x256xi32>
    %eq3A_178 = arith.cmpi eq, %iota3A, %eq3A_177 : vector<4096x256xi32>
    %jit3A_179 = arith.constant 0xFF800000 : f32
    %broadcast_in_dim3A_180 = vector.broadcast %jit3A_179 : f32 to vector<4096x256xf32>
    %select_n3A_181 = arith.select %eq3A_178, %broadcast_in_dim3A_180, %select_n3A_162 : vector<4096x256xi1>, vector<4096x256xf32>
    %reduce_max3A_182 = arith.constant dense<0xFF800000> : vector<256xf32>
    %reduce_max3A_183 = vector.multi_reduction <maximumf>, %select_n3A_181, %reduce_max3A_182 [0] : vector<4096x256xf32> to vector<256xf32>
    %broadcast_in_dim3A_184 = vector.shape_cast %reduce_max3A_183 : vector<256xf32> to vector<1x256xf32>
    %eq3A_185 = vector.broadcast %broadcast_in_dim3A_184 : vector<1x256xf32> to vector<4096x256xf32>
    %eq3A_186 = arith.cmpf oeq, %select_n3A_181, %eq3A_185 : vector<4096x256xf32>
    %jit3A_187 = arith.constant 4096 : i32
    %broadcast_in_dim3A_188 = vector.broadcast %jit3A_187 : i32 to vector<4096x256xi32>
    %select_n3A_189 = arith.select %eq3A_186, %iota3A, %broadcast_in_dim3A_188 : vector<4096x256xi1>, vector<4096x256xi32>
    %reduce_min3A_190 = arith.constant dense<2147483647> : vector<256xi32>
    %reduce_min3A_191 = vector.multi_reduction <minsi>, %select_n3A_189, %reduce_min3A_190 [0] : vector<4096x256xi32> to vector<256xi32>
    %broadcast_in_dim3A_192 = vector.shape_cast %reduce_min3A_191 : vector<256xi32> to vector<1x256xi32>
    %swap3A_193 = arith.constant 9 : index
    %swap3A_194 = arith.constant 0 : index
    %swap3A_195 = vector.load %arg3[%swap3A_193, %swap3A_194] : memref<20x256xi32, #tpu.memory_space<vmem>>, vector<1x256xi32>
    tpu.vector_store %arg3[%swap3A_193, %swap3A_194], %broadcast_in_dim3A_192 {strides = array<i32>} : memref<20x256xi32, #tpu.memory_space<vmem>>, vector<1x256xi32>,
    %eq3A_196 = vector.broadcast %broadcast_in_dim3A_192 : vector<1x256xi32> to vector<4096x256xi32>
    %eq3A_197 = arith.cmpi eq, %iota3A, %eq3A_196 : vector<4096x256xi32>
    %jit3A_198 = arith.constant 0xFF800000 : f32
    %broadcast_in_dim3A_199 = vector.broadcast %jit3A_198 : f32 to vector<4096x256xf32>
    %select_n3A_200 = arith.select %eq3A_197, %broadcast_in_dim3A_199, %select_n3A_181 : vector<4096x256xi1>, vector<4096x256xf32>
    %reduce_max3A_201 = arith.constant dense<0xFF800000> : vector<256xf32>
    %reduce_max3A_202 = vector.multi_reduction <maximumf>, %select_n3A_200, %reduce_max3A_201 [0] : vector<4096x256xf32> to vector<256xf32>
    %broadcast_in_dim3A_203 = vector.shape_cast %reduce_max3A_202 : vector<256xf32> to vector<1x256xf32>
    %eq3A_204 = vector.broadcast %broadcast_in_dim3A_203 : vector<1x256xf32> to vector<4096x256xf32>
    %eq3A_205 = arith.cmpf oeq, %select_n3A_200, %eq3A_204 : vector<4096x256xf32>
    %jit3A_206 = arith.constant 4096 : i32
    %broadcast_in_dim3A_207 = vector.broadcast %jit3A_206 : i32 to vector<4096x256xi32>
    %select_n3A_208 = arith.select %eq3A_205, %iota3A, %broadcast_in_dim3A_207 : vector<4096x256xi1>, vector<4096x256xi32>
    %reduce_min3A_209 = arith.constant dense<2147483647> : vector<256xi32>
    %reduce_min3A_210 = vector.multi_reduction <minsi>, %select_n3A_208, %reduce_min3A_209 [0] : vector<4096x256xi32> to vector<256xi32>
    %broadcast_in_dim3A_211 = vector.shape_cast %reduce_min3A_210 : vector<256xi32> to vector<1x256xi32>
    %swap3A_212 = arith.constant 10 : index
    %swap3A_213 = arith.constant 0 : index
    %swap3A_214 = vector.load %arg3[%swap3A_212, %swap3A_213] : memref<20x256xi32, #tpu.memory_space<vmem>>, vector<1x256xi32>
    tpu.vector_store %arg3[%swap3A_212, %swap3A_213], %broadcast_in_dim3A_211 {strides = array<i32>} : memref<20x256xi32, #tpu.memory_space<vmem>>, vector<1x256xi32>,
    %eq3A_215 = vector.broadcast %broadcast_in_dim3A_211 : vector<1x256xi32> to vector<4096x256xi32>
    %eq3A_216 = arith.cmpi eq, %iota3A, %eq3A_215 : vector<4096x256xi32>
    %jit3A_217 = arith.constant 0xFF800000 : f32
    %broadcast_in_dim3A_218 = vector.broadcast %jit3A_217 : f32 to vector<4096x256xf32>
    %select_n3A_219 = arith.select %eq3A_216, %broadcast_in_dim3A_218, %select_n3A_200 : vector<4096x256xi1>, vector<4096x256xf32>
    %reduce_max3A_220 = arith.constant dense<0xFF800000> : vector<256xf32>
    %reduce_max3A_221 = vector.multi_reduction <maximumf>, %select_n3A_219, %reduce_max3A_220 [0] : vector<4096x256xf32> to vector<256xf32>
    %broadcast_in_dim3A_222 = vector.shape_cast %reduce_max3A_221 : vector<256xf32> to vector<1x256xf32>
    %eq3A_223 = vector.broadcast %broadcast_in_dim3A_222 : vector<1x256xf32> to vector<4096x256xf32>
    %eq3A_224 = arith.cmpf oeq, %select_n3A_219, %eq3A_223 : vector<4096x256xf32>
    %jit3A_225 = arith.constant 4096 : i32
    %broadcast_in_dim3A_226 = vector.broadcast %jit3A_225 : i32 to vector<4096x256xi32>
    %select_n3A_227 = arith.select %eq3A_224, %iota3A, %broadcast_in_dim3A_226 : vector<4096x256xi1>, vector<4096x256xi32>
    %reduce_min3A_228 = arith.constant dense<2147483647> : vector<256xi32>
    %reduce_min3A_229 = vector.multi_reduction <minsi>, %select_n3A_227, %reduce_min3A_228 [0] : vector<4096x256xi32> to vector<256xi32>
    %broadcast_in_dim3A_230 = vector.shape_cast %reduce_min3A_229 : vector<256xi32> to vector<1x256xi32>
    %swap3A_231 = arith.constant 11 : index
    %swap3A_232 = arith.constant 0 : index
    %swap3A_233 = vector.load %arg3[%swap3A_231, %swap3A_232] : memref<20x256xi32, #tpu.memory_space<vmem>>, vector<1x256xi32>
    tpu.vector_store %arg3[%swap3A_231, %swap3A_232], %broadcast_in_dim3A_230 {strides = array<i32>} : memref<20x256xi32, #tpu.memory_space<vmem>>, vector<1x256xi32>,
    %eq3A_234 = vector.broadcast %broadcast_in_dim3A_230 : vector<1x256xi32> to vector<4096x256xi32>
    %eq3A_235 = arith.cmpi eq, %iota3A, %eq3A_234 : vector<4096x256xi32>
    %jit3A_236 = arith.constant 0xFF800000 : f32
    %broadcast_in_dim3A_237 = vector.broadcast %jit3A_236 : f32 to vector<4096x256xf32>
    %select_n3A_238 = arith.select %eq3A_235, %broadcast_in_dim3A_237, %select_n3A_219 : vector<4096x256xi1>, vector<4096x256xf32>
    %reduce_max3A_239 = arith.constant dense<0xFF800000> : vector<256xf32>
    %reduce_max3A_240 = vector.multi_reduction <maximumf>, %select_n3A_238, %reduce_max3A_239 [0] : vector<4096x256xf32> to vector<256xf32>
    %broadcast_in_dim3A_241 = vector.shape_cast %reduce_max3A_240 : vector<256xf32> to vector<1x256xf32>
    %eq3A_242 = vector.broadcast %broadcast_in_dim3A_241 : vector<1x256xf32> to vector<4096x256xf32>
    %eq3A_243 = arith.cmpf oeq, %select_n3A_238, %eq3A_242 : vector<4096x256xf32>
    %jit3A_244 = arith.constant 4096 : i32
    %broadcast_in_dim3A_245 = vector.broadcast %jit3A_244 : i32 to vector<4096x256xi32>
    %select_n3A_246 = arith.select %eq3A_243, %iota3A, %broadcast_in_dim3A_245 : vector<4096x256xi1>, vector<4096x256xi32>
    %reduce_min3A_247 = arith.constant dense<2147483647> : vector<256xi32>
    %reduce_min3A_248 = vector.multi_reduction <minsi>, %select_n3A_246, %reduce_min3A_247 [0] : vector<4096x256xi32> to vector<256xi32>
    %broadcast_in_dim3A_249 = vector.shape_cast %reduce_min3A_248 : vector<256xi32> to vector<1x256xi32>
    %swap3A_250 = arith.constant 12 : index
    %swap3A_251 = arith.constant 0 : index
    %swap3A_252 = vector.load %arg3[%swap3A_250, %swap3A_251] : memref<20x256xi32, #tpu.memory_space<vmem>>, vector<1x256xi32>
    tpu.vector_store %arg3[%swap3A_250, %swap3A_251], %broadcast_in_dim3A_249 {strides = array<i32>} : memref<20x256xi32, #tpu.memory_space<vmem>>, vector<1x256xi32>,
    %eq3A_253 = vector.broadcast %broadcast_in_dim3A_249 : vector<1x256xi32> to vector<4096x256xi32>
    %eq3A_254 = arith.cmpi eq, %iota3A, %eq3A_253 : vector<4096x256xi32>
    %jit3A_255 = arith.constant 0xFF800000 : f32
    %broadcast_in_dim3A_256 = vector.broadcast %jit3A_255 : f32 to vector<4096x256xf32>
    %select_n3A_257 = arith.select %eq3A_254, %broadcast_in_dim3A_256, %select_n3A_238 : vector<4096x256xi1>, vector<4096x256xf32>
    %reduce_max3A_258 = arith.constant dense<0xFF800000> : vector<256xf32>
    %reduce_max3A_259 = vector.multi_reduction <maximumf>, %select_n3A_257, %reduce_max3A_258 [0] : vector<4096x256xf32> to vector<256xf32>
    %broadcast_in_dim3A_260 = vector.shape_cast %reduce_max3A_259 : vector<256xf32> to vector<1x256xf32>
    %eq3A_261 = vector.broadcast %broadcast_in_dim3A_260 : vector<1x256xf32> to vector<4096x256xf32>
    %eq3A_262 = arith.cmpf oeq, %select_n3A_257, %eq3A_261 : vector<4096x256xf32>
    %jit3A_263 = arith.constant 4096 : i32
    %broadcast_in_dim3A_264 = vector.broadcast %jit3A_263 : i32 to vector<4096x256xi32>
    %select_n3A_265 = arith.select %eq3A_262, %iota3A, %broadcast_in_dim3A_264 : vector<4096x256xi1>, vector<4096x256xi32>
    %reduce_min3A_266 = arith.constant dense<2147483647> : vector<256xi32>
    %reduce_min3A_267 = vector.multi_reduction <minsi>, %select_n3A_265, %reduce_min3A_266 [0] : vector<4096x256xi32> to vector<256xi32>
    %broadcast_in_dim3A_268 = vector.shape_cast %reduce_min3A_267 : vector<256xi32> to vector<1x256xi32>
    %swap3A_269 = arith.constant 13 : index
    %swap3A_270 = arith.constant 0 : index
    %swap3A_271 = vector.load %arg3[%swap3A_269, %swap3A_270] : memref<20x256xi32, #tpu.memory_space<vmem>>, vector<1x256xi32>
    tpu.vector_store %arg3[%swap3A_269, %swap3A_270], %broadcast_in_dim3A_268 {strides = array<i32>} : memref<20x256xi32, #tpu.memory_space<vmem>>, vector<1x256xi32>,
    %eq3A_272 = vector.broadcast %broadcast_in_dim3A_268 : vector<1x256xi32> to vector<4096x256xi32>
    %eq3A_273 = arith.cmpi eq, %iota3A, %eq3A_272 : vector<4096x256xi32>
    %jit3A_274 = arith.constant 0xFF800000 : f32
    %broadcast_in_dim3A_275 = vector.broadcast %jit3A_274 : f32 to vector<4096x256xf32>
    %select_n3A_276 = arith.select %eq3A_273, %broadcast_in_dim3A_275, %select_n3A_257 : vector<4096x256xi1>, vector<4096x256xf32>
    %reduce_max3A_277 = arith.constant dense<0xFF800000> : vector<256xf32>
    %reduce_max3A_278 = vector.multi_reduction <maximumf>, %select_n3A_276, %reduce_max3A_277 [0] : vector<4096x256xf32> to vector<256xf32>
    %broadcast_in_dim3A_279 = vector.shape_cast %reduce_max3A_278 : vector<256xf32> to vector<1x256xf32>
    %eq3A_280 = vector.broadcast %broadcast_in_dim3A_279 : vector<1x256xf32> to vector<4096x256xf32>
    %eq3A_281 = arith.cmpf oeq, %select_n3A_276, %eq3A_280 : vector<4096x256xf32>
    %jit3A_282 = arith.constant 4096 : i32
    %broadcast_in_dim3A_283 = vector.broadcast %jit3A_282 : i32 to vector<4096x256xi32>
    %select_n3A_284 = arith.select %eq3A_281, %iota3A, %broadcast_in_dim3A_283 : vector<4096x256xi1>, vector<4096x256xi32>
    %reduce_min3A_285 = arith.constant dense<2147483647> : vector<256xi32>
    %reduce_min3A_286 = vector.multi_reduction <minsi>, %select_n3A_284, %reduce_min3A_285 [0] : vector<4096x256xi32> to vector<256xi32>
    %broadcast_in_dim3A_287 = vector.shape_cast %reduce_min3A_286 : vector<256xi32> to vector<1x256xi32>
    %swap3A_288 = arith.constant 14 : index
    %swap3A_289 = arith.constant 0 : index
    %swap3A_290 = vector.load %arg3[%swap3A_288, %swap3A_289] : memref<20x256xi32, #tpu.memory_space<vmem>>, vector<1x256xi32>
    tpu.vector_store %arg3[%swap3A_288, %swap3A_289], %broadcast_in_dim3A_287 {strides = array<i32>} : memref<20x256xi32, #tpu.memory_space<vmem>>, vector<1x256xi32>,
    %eq3A_291 = vector.broadcast %broadcast_in_dim3A_287 : vector<1x256xi32> to vector<4096x256xi32>
    %eq3A_292 = arith.cmpi eq, %iota3A, %eq3A_291 : vector<4096x256xi32>
    %jit3A_293 = arith.constant 0xFF800000 : f32
    %broadcast_in_dim3A_294 = vector.broadcast %jit3A_293 : f32 to vector<4096x256xf32>
    %select_n3A_295 = arith.select %eq3A_292, %broadcast_in_dim3A_294, %select_n3A_276 : vector<4096x256xi1>, vector<4096x256xf32>
    %reduce_max3A_296 = arith.constant dense<0xFF800000> : vector<256xf32>
    %reduce_max3A_297 = vector.multi_reduction <maximumf>, %select_n3A_295, %reduce_max3A_296 [0] : vector<4096x256xf32> to vector<256xf32>
    %broadcast_in_dim3A_298 = vector.shape_cast %reduce_max3A_297 : vector<256xf32> to vector<1x256xf32>
    %eq3A_299 = vector.broadcast %broadcast_in_dim3A_298 : vector<1x256xf32> to vector<4096x256xf32>
    %eq3A_300 = arith.cmpf oeq, %select_n3A_295, %eq3A_299 : vector<4096x256xf32>
    %jit3A_301 = arith.constant 4096 : i32
    %broadcast_in_dim3A_302 = vector.broadcast %jit3A_301 : i32 to vector<4096x256xi32>
    %select_n3A_303 = arith.select %eq3A_300, %iota3A, %broadcast_in_dim3A_302 : vector<4096x256xi1>, vector<4096x256xi32>
    %reduce_min3A_304 = arith.constant dense<2147483647> : vector<256xi32>
    %reduce_min3A_305 = vector.multi_reduction <minsi>, %select_n3A_303, %reduce_min3A_304 [0] : vector<4096x256xi32> to vector<256xi32>
    %broadcast_in_dim3A_306 = vector.shape_cast %reduce_min3A_305 : vector<256xi32> to vector<1x256xi32>
    %swap3A_307 = arith.constant 15 : index
    %swap3A_308 = arith.constant 0 : index
    %swap3A_309 = vector.load %arg3[%swap3A_307, %swap3A_308] : memref<20x256xi32, #tpu.memory_space<vmem>>, vector<1x256xi32>
    tpu.vector_store %arg3[%swap3A_307, %swap3A_308], %broadcast_in_dim3A_306 {strides = array<i32>} : memref<20x256xi32, #tpu.memory_space<vmem>>, vector<1x256xi32>,
    %eq3A_310 = vector.broadcast %broadcast_in_dim3A_306 : vector<1x256xi32> to vector<4096x256xi32>
    %eq3A_311 = arith.cmpi eq, %iota3A, %eq3A_310 : vector<4096x256xi32>
    %jit3A_312 = arith.constant 0xFF800000 : f32
    %broadcast_in_dim3A_313 = vector.broadcast %jit3A_312 : f32 to vector<4096x256xf32>
    %select_n3A_314 = arith.select %eq3A_311, %broadcast_in_dim3A_313, %select_n3A_295 : vector<4096x256xi1>, vector<4096x256xf32>
    %reduce_max3A_315 = arith.constant dense<0xFF800000> : vector<256xf32>
    %reduce_max3A_316 = vector.multi_reduction <maximumf>, %select_n3A_314, %reduce_max3A_315 [0] : vector<4096x256xf32> to vector<256xf32>
    %broadcast_in_dim3A_317 = vector.shape_cast %reduce_max3A_316 : vector<256xf32> to vector<1x256xf32>
    %eq3A_318 = vector.broadcast %broadcast_in_dim3A_317 : vector<1x256xf32> to vector<4096x256xf32>
    %eq3A_319 = arith.cmpf oeq, %select_n3A_314, %eq3A_318 : vector<4096x256xf32>
    %jit3A_320 = arith.constant 4096 : i32
    %broadcast_in_dim3A_321 = vector.broadcast %jit3A_320 : i32 to vector<4096x256xi32>
    %select_n3A_322 = arith.select %eq3A_319, %iota3A, %broadcast_in_dim3A_321 : vector<4096x256xi1>, vector<4096x256xi32>
    %reduce_min3A_323 = arith.constant dense<2147483647> : vector<256xi32>
    %reduce_min3A_324 = vector.multi_reduction <minsi>, %select_n3A_322, %reduce_min3A_323 [0] : vector<4096x256xi32> to vector<256xi32>
    %broadcast_in_dim3A_325 = vector.shape_cast %reduce_min3A_324 : vector<256xi32> to vector<1x256xi32>
    %swap3A_326 = arith.constant 16 : index
    %swap3A_327 = arith.constant 0 : index
    %swap3A_328 = vector.load %arg3[%swap3A_326, %swap3A_327] : memref<20x256xi32, #tpu.memory_space<vmem>>, vector<1x256xi32>
    tpu.vector_store %arg3[%swap3A_326, %swap3A_327], %broadcast_in_dim3A_325 {strides = array<i32>} : memref<20x256xi32, #tpu.memory_space<vmem>>, vector<1x256xi32>,
    %eq3A_329 = vector.broadcast %broadcast_in_dim3A_325 : vector<1x256xi32> to vector<4096x256xi32>
    %eq3A_330 = arith.cmpi eq, %iota3A, %eq3A_329 : vector<4096x256xi32>
    %jit3A_331 = arith.constant 0xFF800000 : f32
    %broadcast_in_dim3A_332 = vector.broadcast %jit3A_331 : f32 to vector<4096x256xf32>
    %select_n3A_333 = arith.select %eq3A_330, %broadcast_in_dim3A_332, %select_n3A_314 : vector<4096x256xi1>, vector<4096x256xf32>
    %reduce_max3A_334 = arith.constant dense<0xFF800000> : vector<256xf32>
    %reduce_max3A_335 = vector.multi_reduction <maximumf>, %select_n3A_333, %reduce_max3A_334 [0] : vector<4096x256xf32> to vector<256xf32>
    %broadcast_in_dim3A_336 = vector.shape_cast %reduce_max3A_335 : vector<256xf32> to vector<1x256xf32>
    %eq3A_337 = vector.broadcast %broadcast_in_dim3A_336 : vector<1x256xf32> to vector<4096x256xf32>
    %eq3A_338 = arith.cmpf oeq, %select_n3A_333, %eq3A_337 : vector<4096x256xf32>
    %jit3A_339 = arith.constant 4096 : i32
    %broadcast_in_dim3A_340 = vector.broadcast %jit3A_339 : i32 to vector<4096x256xi32>
    %select_n3A_341 = arith.select %eq3A_338, %iota3A, %broadcast_in_dim3A_340 : vector<4096x256xi1>, vector<4096x256xi32>
    %reduce_min3A_342 = arith.constant dense<2147483647> : vector<256xi32>
    %reduce_min3A_343 = vector.multi_reduction <minsi>, %select_n3A_341, %reduce_min3A_342 [0] : vector<4096x256xi32> to vector<256xi32>
    %broadcast_in_dim3A_344 = vector.shape_cast %reduce_min3A_343 : vector<256xi32> to vector<1x256xi32>
    %swap3A_345 = arith.constant 17 : index
    %swap3A_346 = arith.constant 0 : index
    %swap3A_347 = vector.load %arg3[%swap3A_345, %swap3A_346] : memref<20x256xi32, #tpu.memory_space<vmem>>, vector<1x256xi32>
    tpu.vector_store %arg3[%swap3A_345, %swap3A_346], %broadcast_in_dim3A_344 {strides = array<i32>} : memref<20x256xi32, #tpu.memory_space<vmem>>, vector<1x256xi32>,
    %eq3A_348 = vector.broadcast %broadcast_in_dim3A_344 : vector<1x256xi32> to vector<4096x256xi32>
    %eq3A_349 = arith.cmpi eq, %iota3A, %eq3A_348 : vector<4096x256xi32>
    %jit3A_350 = arith.constant 0xFF800000 : f32
    %broadcast_in_dim3A_351 = vector.broadcast %jit3A_350 : f32 to vector<4096x256xf32>
    %select_n3A_352 = arith.select %eq3A_349, %broadcast_in_dim3A_351, %select_n3A_333 : vector<4096x256xi1>, vector<4096x256xf32>
    %reduce_max3A_353 = arith.constant dense<0xFF800000> : vector<256xf32>
    %reduce_max3A_354 = vector.multi_reduction <maximumf>, %select_n3A_352, %reduce_max3A_353 [0] : vector<4096x256xf32> to vector<256xf32>
    %broadcast_in_dim3A_355 = vector.shape_cast %reduce_max3A_354 : vector<256xf32> to vector<1x256xf32>
    %eq3A_356 = vector.broadcast %broadcast_in_dim3A_355 : vector<1x256xf32> to vector<4096x256xf32>
    %eq3A_357 = arith.cmpf oeq, %select_n3A_352, %eq3A_356 : vector<4096x256xf32>
    %jit3A_358 = arith.constant 4096 : i32
    %broadcast_in_dim3A_359 = vector.broadcast %jit3A_358 : i32 to vector<4096x256xi32>
    %select_n3A_360 = arith.select %eq3A_357, %iota3A, %broadcast_in_dim3A_359 : vector<4096x256xi1>, vector<4096x256xi32>
    %reduce_min3A_361 = arith.constant dense<2147483647> : vector<256xi32>
    %reduce_min3A_362 = vector.multi_reduction <minsi>, %select_n3A_360, %reduce_min3A_361 [0] : vector<4096x256xi32> to vector<256xi32>
    %broadcast_in_dim3A_363 = vector.shape_cast %reduce_min3A_362 : vector<256xi32> to vector<1x256xi32>
    %swap3A_364 = arith.constant 18 : index
    %swap3A_365 = arith.constant 0 : index
    %swap3A_366 = vector.load %arg3[%swap3A_364, %swap3A_365] : memref<20x256xi32, #tpu.memory_space<vmem>>, vector<1x256xi32>
    tpu.vector_store %arg3[%swap3A_364, %swap3A_365], %broadcast_in_dim3A_363 {strides = array<i32>} : memref<20x256xi32, #tpu.memory_space<vmem>>, vector<1x256xi32>,
    %eq3A_367 = vector.broadcast %broadcast_in_dim3A_363 : vector<1x256xi32> to vector<4096x256xi32>
    %eq3A_368 = arith.cmpi eq, %iota3A, %eq3A_367 : vector<4096x256xi32>
    %jit3A_369 = arith.constant 0xFF800000 : f32
    %broadcast_in_dim3A_370 = vector.broadcast %jit3A_369 : f32 to vector<4096x256xf32>
    %select_n3A_371 = arith.select %eq3A_368, %broadcast_in_dim3A_370, %select_n3A_352 : vector<4096x256xi1>, vector<4096x256xf32>
    %reduce_max3A_372 = arith.constant dense<0xFF800000> : vector<256xf32>
    %reduce_max3A_373 = vector.multi_reduction <maximumf>, %select_n3A_371, %reduce_max3A_372 [0] : vector<4096x256xf32> to vector<256xf32>
    %broadcast_in_dim3A_374 = vector.shape_cast %reduce_max3A_373 : vector<256xf32> to vector<1x256xf32>
    %eq3A_375 = vector.broadcast %broadcast_in_dim3A_374 : vector<1x256xf32> to vector<4096x256xf32>
    %eq3A_376 = arith.cmpf oeq, %select_n3A_371, %eq3A_375 : vector<4096x256xf32>
    %jit3A_377 = arith.constant 4096 : i32
    %broadcast_in_dim3A_378 = vector.broadcast %jit3A_377 : i32 to vector<4096x256xi32>
    %select_n3A_379 = arith.select %eq3A_376, %iota3A, %broadcast_in_dim3A_378 : vector<4096x256xi1>, vector<4096x256xi32>
    %reduce_min3A_380 = arith.constant dense<2147483647> : vector<256xi32>
    %reduce_min3A_381 = vector.multi_reduction <minsi>, %select_n3A_379, %reduce_min3A_380 [0] : vector<4096x256xi32> to vector<256xi32>
    %broadcast_in_dim3A_382 = vector.shape_cast %reduce_min3A_381 : vector<256xi32> to vector<1x256xi32>
    %swap3A_383 = arith.constant 19 : index
    %swap3A_384 = arith.constant 0 : index
    %swap3A_385 = vector.load %arg3[%swap3A_383, %swap3A_384] : memref<20x256xi32, #tpu.memory_space<vmem>>, vector<1x256xi32>
    tpu.vector_store %arg3[%swap3A_383, %swap3A_384], %broadcast_in_dim3A_382 {strides = array<i32>} : memref<20x256xi32, #tpu.memory_space<vmem>>, vector<1x256xi32>,
    return
  }
  func.func @transform_0(%arg0: i32) -> (i32, i32) {
    %c0_i32 = arith.constant 0 : i32
    %c0_i32_0 = arith.constant 0 : i32
    %c0_i32_1 = arith.constant 0 : i32
    return %c0_i32, %c0_i32_0 : i32, i32
  }
  func.func @transform_1(%arg0: i32) -> (i32, i32) {
    %c0_i32 = arith.constant 0 : i32
    %c0_i32_0 = arith.constant 0 : i32
    return %c0_i32, %arg0 : i32, i32
  }
  func.func @transform_2(%arg0: i32) -> (i32, i32) {
    %c0_i32 = arith.constant 0 : i32
    %c0_i32_0 = arith.constant 0 : i32
    return %c0_i32, %arg0 : i32, i32
  }
}

module attributes {stable_mosaic.version = 14 : i64} {
  func.func @_mix_body(%arg0: i32, %arg1: memref<20x512x64xf32, #tpu.memory_space<vmem>>, %arg2: memref<20x20xf32, #tpu.memory_space<vmem>>, %arg3: memref<20x64x64xf32, #tpu.memory_space<vmem>>, %arg4: memref<64x1xf32, #tpu.memory_space<vmem>>, %arg5: memref<64x512xf32, #tpu.memory_space<vmem>>) attributes {dimension_semantics = [#tpu.dimension_semantics<arbitrary>], iteration_bounds = array<i64: 8>, scalar_prefetch = 0 : i64, scratch_operands = 0 : i64, tpu.core_type = #tpu.core_type<tc>, window_params = [{transform_indices = @transform_0, window_bounds = array<i64: 20, 512, 64>}, {pipeline_mode = #tpu.pipeline_mode<synchronous>, transform_indices = @transform_1, window_bounds = array<i64: 20, 20>}, {pipeline_mode = #tpu.pipeline_mode<synchronous>, transform_indices = @transform_2, window_bounds = array<i64: 20, 64, 64>}, {pipeline_mode = #tpu.pipeline_mode<synchronous>, transform_indices = @transform_3, window_bounds = array<i64: 64, 1>}, {transform_indices = @transform_4, window_bounds = array<i64: 64, 512>}]} {
    %get3A = arith.constant 0 : index
    %get3A_0 = arith.constant 0 : index
    %get3A_1 = arith.constant 0 : index
    %get3A_2 = vector.load %arg1[%get3A, %get3A_0, %get3A_1] : memref<20x512x64xf32, #tpu.memory_space<vmem>>, vector<20x512x64xf32>
    %reshape3A = vector.shape_cast %get3A_2 : vector<20x512x64xf32> to vector<20x32768xf32>
    %get3A_3 = arith.constant 0 : index
    %get3A_4 = arith.constant 0 : index
    %get3A_5 = vector.load %arg2[%get3A_3, %get3A_4] : memref<20x20xf32, #tpu.memory_space<vmem>>, vector<20x20xf32>
    %dot_general3A = arith.constant dense<0.000000e+00> : vector<20x32768xf32>
    %dot_general3A_6 = tpu.matmul %get3A_5, %reshape3A, %dot_general3A {dimension_numbers = #tpu.dot_dimension_numbers<[1], [0], [0], [1], [0, 0, 1, 1], [], []>, transpose_lhs_hint = false} : vector<20x20xf32>, vector<20x32768xf32>, vector<20x32768xf32> -> vector<20x32768xf32>
    %gt3A = arith.constant 0.000000e+00 : f32
    %gt3A_7 = vector.broadcast %gt3A : f32 to vector<20x32768xf32>
    %gt3A_8 = arith.cmpf ogt, %dot_general3A_6, %gt3A_7 : vector<20x32768xf32>
    %exp3A = math.exp %dot_general3A_6 : vector<20x32768xf32>
    %sub3A = arith.constant 1.000000e+00 : f32
    %sub3A_9 = vector.broadcast %sub3A : f32 to vector<20x32768xf32>
    %sub3A_10 = arith.subf %exp3A, %sub3A_9 : vector<20x32768xf32>
    %select_n3A = arith.select %gt3A_8, %dot_general3A_6, %sub3A_10 : vector<20x32768xi1>, vector<20x32768xf32>
    %reshape3A_11 = vector.shape_cast %select_n3A : vector<20x32768xf32> to vector<20x512x64xf32>
    %broadcast_in_dim3A = arith.constant 0.000000e+00 : f32
    %broadcast_in_dim3A_12 = vector.broadcast %broadcast_in_dim3A : f32 to vector<64x512xf32>
    %get3A_13 = arith.constant 0 : index
    %get3A_14 = arith.constant 0 : index
    %get3A_15 = arith.constant 0 : index
    %get3A_16 = vector.load %arg3[%get3A_13, %get3A_14, %get3A_15] : memref<20x64x64xf32, #tpu.memory_space<vmem>>, vector<1x64x64xf32>
    %get3A_17 = vector.shape_cast %get3A_16 : vector<1x64x64xf32> to vector<64x64xf32>
    %slice3A = vector.extract_strided_slice %reshape3A_11 {offsets = [0, 0, 0], sizes = [1, 512, 64], strides = [1, 1, 1]} : vector<20x512x64xf32> to vector<1x512x64xf32>
    %squeeze3A = vector.shape_cast %slice3A : vector<1x512x64xf32> to vector<512x64xf32>
    %dot_general3A_18 = arith.constant dense<0.000000e+00> : vector<64x512xf32>
    %dot_general3A_19 = tpu.matmul %get3A_17, %squeeze3A, %dot_general3A_18 {dimension_numbers = #tpu.dot_dimension_numbers<[1], [1], [0], [0], [0, 0, 1, 0], [], []>, transpose_lhs_hint = false} : vector<64x64xf32>, vector<512x64xf32>, vector<64x512xf32> -> vector<64x512xf32>
    %add3A = arith.addf %broadcast_in_dim3A_12, %dot_general3A_19 : vector<64x512xf32>
    %get3A_20 = arith.constant 1 : index
    %get3A_21 = arith.constant 0 : index
    %get3A_22 = arith.constant 0 : index
    %get3A_23 = vector.load %arg3[%get3A_20, %get3A_21, %get3A_22] : memref<20x64x64xf32, #tpu.memory_space<vmem>>, vector<1x64x64xf32>
    %get3A_24 = vector.shape_cast %get3A_23 : vector<1x64x64xf32> to vector<64x64xf32>
    %slice3A_25 = vector.extract_strided_slice %reshape3A_11 {offsets = [1, 0, 0], sizes = [1, 512, 64], strides = [1, 1, 1]} : vector<20x512x64xf32> to vector<1x512x64xf32>
    %squeeze3A_26 = vector.shape_cast %slice3A_25 : vector<1x512x64xf32> to vector<512x64xf32>
    %dot_general3A_27 = arith.constant dense<0.000000e+00> : vector<64x512xf32>
    %dot_general3A_28 = tpu.matmul %get3A_24, %squeeze3A_26, %dot_general3A_27 {dimension_numbers = #tpu.dot_dimension_numbers<[1], [1], [0], [0], [0, 0, 1, 0], [], []>, transpose_lhs_hint = false} : vector<64x64xf32>, vector<512x64xf32>, vector<64x512xf32> -> vector<64x512xf32>
    %add3A_29 = arith.addf %add3A, %dot_general3A_28 : vector<64x512xf32>
    %get3A_30 = arith.constant 2 : index
    %get3A_31 = arith.constant 0 : index
    %get3A_32 = arith.constant 0 : index
    %get3A_33 = vector.load %arg3[%get3A_30, %get3A_31, %get3A_32] : memref<20x64x64xf32, #tpu.memory_space<vmem>>, vector<1x64x64xf32>
    %get3A_34 = vector.shape_cast %get3A_33 : vector<1x64x64xf32> to vector<64x64xf32>
    %slice3A_35 = vector.extract_strided_slice %reshape3A_11 {offsets = [2, 0, 0], sizes = [1, 512, 64], strides = [1, 1, 1]} : vector<20x512x64xf32> to vector<1x512x64xf32>
    %squeeze3A_36 = vector.shape_cast %slice3A_35 : vector<1x512x64xf32> to vector<512x64xf32>
    %dot_general3A_37 = arith.constant dense<0.000000e+00> : vector<64x512xf32>
    %dot_general3A_38 = tpu.matmul %get3A_34, %squeeze3A_36, %dot_general3A_37 {dimension_numbers = #tpu.dot_dimension_numbers<[1], [1], [0], [0], [0, 0, 1, 0], [], []>, transpose_lhs_hint = false} : vector<64x64xf32>, vector<512x64xf32>, vector<64x512xf32> -> vector<64x512xf32>
    %add3A_39 = arith.addf %add3A_29, %dot_general3A_38 : vector<64x512xf32>
    %get3A_40 = arith.constant 3 : index
    %get3A_41 = arith.constant 0 : index
    %get3A_42 = arith.constant 0 : index
    %get3A_43 = vector.load %arg3[%get3A_40, %get3A_41, %get3A_42] : memref<20x64x64xf32, #tpu.memory_space<vmem>>, vector<1x64x64xf32>
    %get3A_44 = vector.shape_cast %get3A_43 : vector<1x64x64xf32> to vector<64x64xf32>
    %slice3A_45 = vector.extract_strided_slice %reshape3A_11 {offsets = [3, 0, 0], sizes = [1, 512, 64], strides = [1, 1, 1]} : vector<20x512x64xf32> to vector<1x512x64xf32>
    %squeeze3A_46 = vector.shape_cast %slice3A_45 : vector<1x512x64xf32> to vector<512x64xf32>
    %dot_general3A_47 = arith.constant dense<0.000000e+00> : vector<64x512xf32>
    %dot_general3A_48 = tpu.matmul %get3A_44, %squeeze3A_46, %dot_general3A_47 {dimension_numbers = #tpu.dot_dimension_numbers<[1], [1], [0], [0], [0, 0, 1, 0], [], []>, transpose_lhs_hint = false} : vector<64x64xf32>, vector<512x64xf32>, vector<64x512xf32> -> vector<64x512xf32>
    %add3A_49 = arith.addf %add3A_39, %dot_general3A_48 : vector<64x512xf32>
    %get3A_50 = arith.constant 4 : index
    %get3A_51 = arith.constant 0 : index
    %get3A_52 = arith.constant 0 : index
    %get3A_53 = vector.load %arg3[%get3A_50, %get3A_51, %get3A_52] : memref<20x64x64xf32, #tpu.memory_space<vmem>>, vector<1x64x64xf32>
    %get3A_54 = vector.shape_cast %get3A_53 : vector<1x64x64xf32> to vector<64x64xf32>
    %slice3A_55 = vector.extract_strided_slice %reshape3A_11 {offsets = [4, 0, 0], sizes = [1, 512, 64], strides = [1, 1, 1]} : vector<20x512x64xf32> to vector<1x512x64xf32>
    %squeeze3A_56 = vector.shape_cast %slice3A_55 : vector<1x512x64xf32> to vector<512x64xf32>
    %dot_general3A_57 = arith.constant dense<0.000000e+00> : vector<64x512xf32>
    %dot_general3A_58 = tpu.matmul %get3A_54, %squeeze3A_56, %dot_general3A_57 {dimension_numbers = #tpu.dot_dimension_numbers<[1], [1], [0], [0], [0, 0, 1, 0], [], []>, transpose_lhs_hint = false} : vector<64x64xf32>, vector<512x64xf32>, vector<64x512xf32> -> vector<64x512xf32>
    %add3A_59 = arith.addf %add3A_49, %dot_general3A_58 : vector<64x512xf32>
    %get3A_60 = arith.constant 5 : index
    %get3A_61 = arith.constant 0 : index
    %get3A_62 = arith.constant 0 : index
    %get3A_63 = vector.load %arg3[%get3A_60, %get3A_61, %get3A_62] : memref<20x64x64xf32, #tpu.memory_space<vmem>>, vector<1x64x64xf32>
    %get3A_64 = vector.shape_cast %get3A_63 : vector<1x64x64xf32> to vector<64x64xf32>
    %slice3A_65 = vector.extract_strided_slice %reshape3A_11 {offsets = [5, 0, 0], sizes = [1, 512, 64], strides = [1, 1, 1]} : vector<20x512x64xf32> to vector<1x512x64xf32>
    %squeeze3A_66 = vector.shape_cast %slice3A_65 : vector<1x512x64xf32> to vector<512x64xf32>
    %dot_general3A_67 = arith.constant dense<0.000000e+00> : vector<64x512xf32>
    %dot_general3A_68 = tpu.matmul %get3A_64, %squeeze3A_66, %dot_general3A_67 {dimension_numbers = #tpu.dot_dimension_numbers<[1], [1], [0], [0], [0, 0, 1, 0], [], []>, transpose_lhs_hint = false} : vector<64x64xf32>, vector<512x64xf32>, vector<64x512xf32> -> vector<64x512xf32>
    %add3A_69 = arith.addf %add3A_59, %dot_general3A_68 : vector<64x512xf32>
    %get3A_70 = arith.constant 6 : index
    %get3A_71 = arith.constant 0 : index
    %get3A_72 = arith.constant 0 : index
    %get3A_73 = vector.load %arg3[%get3A_70, %get3A_71, %get3A_72] : memref<20x64x64xf32, #tpu.memory_space<vmem>>, vector<1x64x64xf32>
    %get3A_74 = vector.shape_cast %get3A_73 : vector<1x64x64xf32> to vector<64x64xf32>
    %slice3A_75 = vector.extract_strided_slice %reshape3A_11 {offsets = [6, 0, 0], sizes = [1, 512, 64], strides = [1, 1, 1]} : vector<20x512x64xf32> to vector<1x512x64xf32>
    %squeeze3A_76 = vector.shape_cast %slice3A_75 : vector<1x512x64xf32> to vector<512x64xf32>
    %dot_general3A_77 = arith.constant dense<0.000000e+00> : vector<64x512xf32>
    %dot_general3A_78 = tpu.matmul %get3A_74, %squeeze3A_76, %dot_general3A_77 {dimension_numbers = #tpu.dot_dimension_numbers<[1], [1], [0], [0], [0, 0, 1, 0], [], []>, transpose_lhs_hint = false} : vector<64x64xf32>, vector<512x64xf32>, vector<64x512xf32> -> vector<64x512xf32>
    %add3A_79 = arith.addf %add3A_69, %dot_general3A_78 : vector<64x512xf32>
    %get3A_80 = arith.constant 7 : index
    %get3A_81 = arith.constant 0 : index
    %get3A_82 = arith.constant 0 : index
    %get3A_83 = vector.load %arg3[%get3A_80, %get3A_81, %get3A_82] : memref<20x64x64xf32, #tpu.memory_space<vmem>>, vector<1x64x64xf32>
    %get3A_84 = vector.shape_cast %get3A_83 : vector<1x64x64xf32> to vector<64x64xf32>
    %slice3A_85 = vector.extract_strided_slice %reshape3A_11 {offsets = [7, 0, 0], sizes = [1, 512, 64], strides = [1, 1, 1]} : vector<20x512x64xf32> to vector<1x512x64xf32>
    %squeeze3A_86 = vector.shape_cast %slice3A_85 : vector<1x512x64xf32> to vector<512x64xf32>
    %dot_general3A_87 = arith.constant dense<0.000000e+00> : vector<64x512xf32>
    %dot_general3A_88 = tpu.matmul %get3A_84, %squeeze3A_86, %dot_general3A_87 {dimension_numbers = #tpu.dot_dimension_numbers<[1], [1], [0], [0], [0, 0, 1, 0], [], []>, transpose_lhs_hint = false} : vector<64x64xf32>, vector<512x64xf32>, vector<64x512xf32> -> vector<64x512xf32>
    %add3A_89 = arith.addf %add3A_79, %dot_general3A_88 : vector<64x512xf32>
    %get3A_90 = arith.constant 8 : index
    %get3A_91 = arith.constant 0 : index
    %get3A_92 = arith.constant 0 : index
    %get3A_93 = vector.load %arg3[%get3A_90, %get3A_91, %get3A_92] : memref<20x64x64xf32, #tpu.memory_space<vmem>>, vector<1x64x64xf32>
    %get3A_94 = vector.shape_cast %get3A_93 : vector<1x64x64xf32> to vector<64x64xf32>
    %slice3A_95 = vector.extract_strided_slice %reshape3A_11 {offsets = [8, 0, 0], sizes = [1, 512, 64], strides = [1, 1, 1]} : vector<20x512x64xf32> to vector<1x512x64xf32>
    %squeeze3A_96 = vector.shape_cast %slice3A_95 : vector<1x512x64xf32> to vector<512x64xf32>
    %dot_general3A_97 = arith.constant dense<0.000000e+00> : vector<64x512xf32>
    %dot_general3A_98 = tpu.matmul %get3A_94, %squeeze3A_96, %dot_general3A_97 {dimension_numbers = #tpu.dot_dimension_numbers<[1], [1], [0], [0], [0, 0, 1, 0], [], []>, transpose_lhs_hint = false} : vector<64x64xf32>, vector<512x64xf32>, vector<64x512xf32> -> vector<64x512xf32>
    %add3A_99 = arith.addf %add3A_89, %dot_general3A_98 : vector<64x512xf32>
    %get3A_100 = arith.constant 9 : index
    %get3A_101 = arith.constant 0 : index
    %get3A_102 = arith.constant 0 : index
    %get3A_103 = vector.load %arg3[%get3A_100, %get3A_101, %get3A_102] : memref<20x64x64xf32, #tpu.memory_space<vmem>>, vector<1x64x64xf32>
    %get3A_104 = vector.shape_cast %get3A_103 : vector<1x64x64xf32> to vector<64x64xf32>
    %slice3A_105 = vector.extract_strided_slice %reshape3A_11 {offsets = [9, 0, 0], sizes = [1, 512, 64], strides = [1, 1, 1]} : vector<20x512x64xf32> to vector<1x512x64xf32>
    %squeeze3A_106 = vector.shape_cast %slice3A_105 : vector<1x512x64xf32> to vector<512x64xf32>
    %dot_general3A_107 = arith.constant dense<0.000000e+00> : vector<64x512xf32>
    %dot_general3A_108 = tpu.matmul %get3A_104, %squeeze3A_106, %dot_general3A_107 {dimension_numbers = #tpu.dot_dimension_numbers<[1], [1], [0], [0], [0, 0, 1, 0], [], []>, transpose_lhs_hint = false} : vector<64x64xf32>, vector<512x64xf32>, vector<64x512xf32> -> vector<64x512xf32>
    %add3A_109 = arith.addf %add3A_99, %dot_general3A_108 : vector<64x512xf32>
    %get3A_110 = arith.constant 10 : index
    %get3A_111 = arith.constant 0 : index
    %get3A_112 = arith.constant 0 : index
    %get3A_113 = vector.load %arg3[%get3A_110, %get3A_111, %get3A_112] : memref<20x64x64xf32, #tpu.memory_space<vmem>>, vector<1x64x64xf32>
    %get3A_114 = vector.shape_cast %get3A_113 : vector<1x64x64xf32> to vector<64x64xf32>
    %slice3A_115 = vector.extract_strided_slice %reshape3A_11 {offsets = [10, 0, 0], sizes = [1, 512, 64], strides = [1, 1, 1]} : vector<20x512x64xf32> to vector<1x512x64xf32>
    %squeeze3A_116 = vector.shape_cast %slice3A_115 : vector<1x512x64xf32> to vector<512x64xf32>
    %dot_general3A_117 = arith.constant dense<0.000000e+00> : vector<64x512xf32>
    %dot_general3A_118 = tpu.matmul %get3A_114, %squeeze3A_116, %dot_general3A_117 {dimension_numbers = #tpu.dot_dimension_numbers<[1], [1], [0], [0], [0, 0, 1, 0], [], []>, transpose_lhs_hint = false} : vector<64x64xf32>, vector<512x64xf32>, vector<64x512xf32> -> vector<64x512xf32>
    %add3A_119 = arith.addf %add3A_109, %dot_general3A_118 : vector<64x512xf32>
    %get3A_120 = arith.constant 11 : index
    %get3A_121 = arith.constant 0 : index
    %get3A_122 = arith.constant 0 : index
    %get3A_123 = vector.load %arg3[%get3A_120, %get3A_121, %get3A_122] : memref<20x64x64xf32, #tpu.memory_space<vmem>>, vector<1x64x64xf32>
    %get3A_124 = vector.shape_cast %get3A_123 : vector<1x64x64xf32> to vector<64x64xf32>
    %slice3A_125 = vector.extract_strided_slice %reshape3A_11 {offsets = [11, 0, 0], sizes = [1, 512, 64], strides = [1, 1, 1]} : vector<20x512x64xf32> to vector<1x512x64xf32>
    %squeeze3A_126 = vector.shape_cast %slice3A_125 : vector<1x512x64xf32> to vector<512x64xf32>
    %dot_general3A_127 = arith.constant dense<0.000000e+00> : vector<64x512xf32>
    %dot_general3A_128 = tpu.matmul %get3A_124, %squeeze3A_126, %dot_general3A_127 {dimension_numbers = #tpu.dot_dimension_numbers<[1], [1], [0], [0], [0, 0, 1, 0], [], []>, transpose_lhs_hint = false} : vector<64x64xf32>, vector<512x64xf32>, vector<64x512xf32> -> vector<64x512xf32>
    %add3A_129 = arith.addf %add3A_119, %dot_general3A_128 : vector<64x512xf32>
    %get3A_130 = arith.constant 12 : index
    %get3A_131 = arith.constant 0 : index
    %get3A_132 = arith.constant 0 : index
    %get3A_133 = vector.load %arg3[%get3A_130, %get3A_131, %get3A_132] : memref<20x64x64xf32, #tpu.memory_space<vmem>>, vector<1x64x64xf32>
    %get3A_134 = vector.shape_cast %get3A_133 : vector<1x64x64xf32> to vector<64x64xf32>
    %slice3A_135 = vector.extract_strided_slice %reshape3A_11 {offsets = [12, 0, 0], sizes = [1, 512, 64], strides = [1, 1, 1]} : vector<20x512x64xf32> to vector<1x512x64xf32>
    %squeeze3A_136 = vector.shape_cast %slice3A_135 : vector<1x512x64xf32> to vector<512x64xf32>
    %dot_general3A_137 = arith.constant dense<0.000000e+00> : vector<64x512xf32>
    %dot_general3A_138 = tpu.matmul %get3A_134, %squeeze3A_136, %dot_general3A_137 {dimension_numbers = #tpu.dot_dimension_numbers<[1], [1], [0], [0], [0, 0, 1, 0], [], []>, transpose_lhs_hint = false} : vector<64x64xf32>, vector<512x64xf32>, vector<64x512xf32> -> vector<64x512xf32>
    %add3A_139 = arith.addf %add3A_129, %dot_general3A_138 : vector<64x512xf32>
    %get3A_140 = arith.constant 13 : index
    %get3A_141 = arith.constant 0 : index
    %get3A_142 = arith.constant 0 : index
    %get3A_143 = vector.load %arg3[%get3A_140, %get3A_141, %get3A_142] : memref<20x64x64xf32, #tpu.memory_space<vmem>>, vector<1x64x64xf32>
    %get3A_144 = vector.shape_cast %get3A_143 : vector<1x64x64xf32> to vector<64x64xf32>
    %slice3A_145 = vector.extract_strided_slice %reshape3A_11 {offsets = [13, 0, 0], sizes = [1, 512, 64], strides = [1, 1, 1]} : vector<20x512x64xf32> to vector<1x512x64xf32>
    %squeeze3A_146 = vector.shape_cast %slice3A_145 : vector<1x512x64xf32> to vector<512x64xf32>
    %dot_general3A_147 = arith.constant dense<0.000000e+00> : vector<64x512xf32>
    %dot_general3A_148 = tpu.matmul %get3A_144, %squeeze3A_146, %dot_general3A_147 {dimension_numbers = #tpu.dot_dimension_numbers<[1], [1], [0], [0], [0, 0, 1, 0], [], []>, transpose_lhs_hint = false} : vector<64x64xf32>, vector<512x64xf32>, vector<64x512xf32> -> vector<64x512xf32>
    %add3A_149 = arith.addf %add3A_139, %dot_general3A_148 : vector<64x512xf32>
    %get3A_150 = arith.constant 14 : index
    %get3A_151 = arith.constant 0 : index
    %get3A_152 = arith.constant 0 : index
    %get3A_153 = vector.load %arg3[%get3A_150, %get3A_151, %get3A_152] : memref<20x64x64xf32, #tpu.memory_space<vmem>>, vector<1x64x64xf32>
    %get3A_154 = vector.shape_cast %get3A_153 : vector<1x64x64xf32> to vector<64x64xf32>
    %slice3A_155 = vector.extract_strided_slice %reshape3A_11 {offsets = [14, 0, 0], sizes = [1, 512, 64], strides = [1, 1, 1]} : vector<20x512x64xf32> to vector<1x512x64xf32>
    %squeeze3A_156 = vector.shape_cast %slice3A_155 : vector<1x512x64xf32> to vector<512x64xf32>
    %dot_general3A_157 = arith.constant dense<0.000000e+00> : vector<64x512xf32>
    %dot_general3A_158 = tpu.matmul %get3A_154, %squeeze3A_156, %dot_general3A_157 {dimension_numbers = #tpu.dot_dimension_numbers<[1], [1], [0], [0], [0, 0, 1, 0], [], []>, transpose_lhs_hint = false} : vector<64x64xf32>, vector<512x64xf32>, vector<64x512xf32> -> vector<64x512xf32>
    %add3A_159 = arith.addf %add3A_149, %dot_general3A_158 : vector<64x512xf32>
    %get3A_160 = arith.constant 15 : index
    %get3A_161 = arith.constant 0 : index
    %get3A_162 = arith.constant 0 : index
    %get3A_163 = vector.load %arg3[%get3A_160, %get3A_161, %get3A_162] : memref<20x64x64xf32, #tpu.memory_space<vmem>>, vector<1x64x64xf32>
    %get3A_164 = vector.shape_cast %get3A_163 : vector<1x64x64xf32> to vector<64x64xf32>
    %slice3A_165 = vector.extract_strided_slice %reshape3A_11 {offsets = [15, 0, 0], sizes = [1, 512, 64], strides = [1, 1, 1]} : vector<20x512x64xf32> to vector<1x512x64xf32>
    %squeeze3A_166 = vector.shape_cast %slice3A_165 : vector<1x512x64xf32> to vector<512x64xf32>
    %dot_general3A_167 = arith.constant dense<0.000000e+00> : vector<64x512xf32>
    %dot_general3A_168 = tpu.matmul %get3A_164, %squeeze3A_166, %dot_general3A_167 {dimension_numbers = #tpu.dot_dimension_numbers<[1], [1], [0], [0], [0, 0, 1, 0], [], []>, transpose_lhs_hint = false} : vector<64x64xf32>, vector<512x64xf32>, vector<64x512xf32> -> vector<64x512xf32>
    %add3A_169 = arith.addf %add3A_159, %dot_general3A_168 : vector<64x512xf32>
    %get3A_170 = arith.constant 16 : index
    %get3A_171 = arith.constant 0 : index
    %get3A_172 = arith.constant 0 : index
    %get3A_173 = vector.load %arg3[%get3A_170, %get3A_171, %get3A_172] : memref<20x64x64xf32, #tpu.memory_space<vmem>>, vector<1x64x64xf32>
    %get3A_174 = vector.shape_cast %get3A_173 : vector<1x64x64xf32> to vector<64x64xf32>
    %slice3A_175 = vector.extract_strided_slice %reshape3A_11 {offsets = [16, 0, 0], sizes = [1, 512, 64], strides = [1, 1, 1]} : vector<20x512x64xf32> to vector<1x512x64xf32>
    %squeeze3A_176 = vector.shape_cast %slice3A_175 : vector<1x512x64xf32> to vector<512x64xf32>
    %dot_general3A_177 = arith.constant dense<0.000000e+00> : vector<64x512xf32>
    %dot_general3A_178 = tpu.matmul %get3A_174, %squeeze3A_176, %dot_general3A_177 {dimension_numbers = #tpu.dot_dimension_numbers<[1], [1], [0], [0], [0, 0, 1, 0], [], []>, transpose_lhs_hint = false} : vector<64x64xf32>, vector<512x64xf32>, vector<64x512xf32> -> vector<64x512xf32>
    %add3A_179 = arith.addf %add3A_169, %dot_general3A_178 : vector<64x512xf32>
    %get3A_180 = arith.constant 17 : index
    %get3A_181 = arith.constant 0 : index
    %get3A_182 = arith.constant 0 : index
    %get3A_183 = vector.load %arg3[%get3A_180, %get3A_181, %get3A_182] : memref<20x64x64xf32, #tpu.memory_space<vmem>>, vector<1x64x64xf32>
    %get3A_184 = vector.shape_cast %get3A_183 : vector<1x64x64xf32> to vector<64x64xf32>
    %slice3A_185 = vector.extract_strided_slice %reshape3A_11 {offsets = [17, 0, 0], sizes = [1, 512, 64], strides = [1, 1, 1]} : vector<20x512x64xf32> to vector<1x512x64xf32>
    %squeeze3A_186 = vector.shape_cast %slice3A_185 : vector<1x512x64xf32> to vector<512x64xf32>
    %dot_general3A_187 = arith.constant dense<0.000000e+00> : vector<64x512xf32>
    %dot_general3A_188 = tpu.matmul %get3A_184, %squeeze3A_186, %dot_general3A_187 {dimension_numbers = #tpu.dot_dimension_numbers<[1], [1], [0], [0], [0, 0, 1, 0], [], []>, transpose_lhs_hint = false} : vector<64x64xf32>, vector<512x64xf32>, vector<64x512xf32> -> vector<64x512xf32>
    %add3A_189 = arith.addf %add3A_179, %dot_general3A_188 : vector<64x512xf32>
    %get3A_190 = arith.constant 18 : index
    %get3A_191 = arith.constant 0 : index
    %get3A_192 = arith.constant 0 : index
    %get3A_193 = vector.load %arg3[%get3A_190, %get3A_191, %get3A_192] : memref<20x64x64xf32, #tpu.memory_space<vmem>>, vector<1x64x64xf32>
    %get3A_194 = vector.shape_cast %get3A_193 : vector<1x64x64xf32> to vector<64x64xf32>
    %slice3A_195 = vector.extract_strided_slice %reshape3A_11 {offsets = [18, 0, 0], sizes = [1, 512, 64], strides = [1, 1, 1]} : vector<20x512x64xf32> to vector<1x512x64xf32>
    %squeeze3A_196 = vector.shape_cast %slice3A_195 : vector<1x512x64xf32> to vector<512x64xf32>
    %dot_general3A_197 = arith.constant dense<0.000000e+00> : vector<64x512xf32>
    %dot_general3A_198 = tpu.matmul %get3A_194, %squeeze3A_196, %dot_general3A_197 {dimension_numbers = #tpu.dot_dimension_numbers<[1], [1], [0], [0], [0, 0, 1, 0], [], []>, transpose_lhs_hint = false} : vector<64x64xf32>, vector<512x64xf32>, vector<64x512xf32> -> vector<64x512xf32>
    %add3A_199 = arith.addf %add3A_189, %dot_general3A_198 : vector<64x512xf32>
    %get3A_200 = arith.constant 19 : index
    %get3A_201 = arith.constant 0 : index
    %get3A_202 = arith.constant 0 : index
    %get3A_203 = vector.load %arg3[%get3A_200, %get3A_201, %get3A_202] : memref<20x64x64xf32, #tpu.memory_space<vmem>>, vector<1x64x64xf32>
    %get3A_204 = vector.shape_cast %get3A_203 : vector<1x64x64xf32> to vector<64x64xf32>
    %slice3A_205 = vector.extract_strided_slice %reshape3A_11 {offsets = [19, 0, 0], sizes = [1, 512, 64], strides = [1, 1, 1]} : vector<20x512x64xf32> to vector<1x512x64xf32>
    %squeeze3A_206 = vector.shape_cast %slice3A_205 : vector<1x512x64xf32> to vector<512x64xf32>
    %dot_general3A_207 = arith.constant dense<0.000000e+00> : vector<64x512xf32>
    %dot_general3A_208 = tpu.matmul %get3A_204, %squeeze3A_206, %dot_general3A_207 {dimension_numbers = #tpu.dot_dimension_numbers<[1], [1], [0], [0], [0, 0, 1, 0], [], []>, transpose_lhs_hint = false} : vector<64x64xf32>, vector<512x64xf32>, vector<64x512xf32> -> vector<64x512xf32>
    %add3A_209 = arith.addf %add3A_199, %dot_general3A_208 : vector<64x512xf32>
    %get3A_210 = arith.constant 0 : index
    %get3A_211 = arith.constant 0 : index
    %get3A_212 = vector.load %arg4[%get3A_210, %get3A_211] : memref<64x1xf32, #tpu.memory_space<vmem>>, vector<64x1xf32>
    %add3A_213 = vector.broadcast %get3A_212 : vector<64x1xf32> to vector<64x512xf32>
    %add3A_214 = arith.addf %add3A_209, %add3A_213 : vector<64x512xf32>
    %swap3A = arith.constant 0 : index
    %swap3A_215 = arith.constant 0 : index
    %swap3A_216 = vector.load %arg5[%swap3A, %swap3A_215] : memref<64x512xf32, #tpu.memory_space<vmem>>, vector<64x512xf32>
    tpu.vector_store %arg5[%swap3A, %swap3A_215], %add3A_214 {strides = array<i32>} : memref<64x512xf32, #tpu.memory_space<vmem>>, vector<64x512xf32>,
    return
  }
  func.func @transform_0(%arg0: i32) -> (i32, i32, i32) {
    %c0_i32 = arith.constant 0 : i32
    %c0_i32_0 = arith.constant 0 : i32
    %c0_i32_1 = arith.constant 0 : i32
    return %c0_i32, %arg0, %c0_i32_0 : i32, i32, i32
  }
  func.func @transform_1(%arg0: i32) -> (i32, i32) {
    %c0_i32 = arith.constant 0 : i32
    %c0_i32_0 = arith.constant 0 : i32
    %c0_i32_1 = arith.constant 0 : i32
    return %c0_i32, %c0_i32_0 : i32, i32
  }
  func.func @transform_2(%arg0: i32) -> (i32, i32, i32) {
    %c0_i32 = arith.constant 0 : i32
    %c0_i32_0 = arith.constant 0 : i32
    %c0_i32_1 = arith.constant 0 : i32
    %c0_i32_2 = arith.constant 0 : i32
    return %c0_i32, %c0_i32_0, %c0_i32_1 : i32, i32, i32
  }
  func.func @transform_3(%arg0: i32) -> (i32, i32) {
    %c0_i32 = arith.constant 0 : i32
    %c0_i32_0 = arith.constant 0 : i32
    %c0_i32_1 = arith.constant 0 : i32
    return %c0_i32, %c0_i32_0 : i32, i32
  }
  func.func @transform_4(%arg0: i32) -> (i32, i32) {
    %c0_i32 = arith.constant 0 : i32
    %c0_i32_0 = arith.constant 0 : i32
    return %c0_i32, %arg0 : i32, i32
  }
}

</mosaic_0001>

<sc_bundles>
// kernel: kernel.11.cloned.1.call-start
scs
__scs_entry_jumppad:
0x0: {  	(pc) =	sbr.rel $0x88, $3  }
0x1: {  	(tag) =	ssettag $0x0;
	lr =	simm.s32 $0x1  }
0x2: {  	[smem:$0x3F9D] =	sst lr;
	_ =	strace $0xD0000000  }
0x3: {  	_ = 	snop  }
0x4: {  	_ = 	snop  }
0x5: {  	_ = 	snop  }
0x6: {  	_ = 	snop  }
0x7: {  	_ = 	snop  }
__scs_overlays_trampoline_lowered:
0x8: {  	[smem:$0x3FAC] =	sst s0  }
0x9: {  	[smem:$0x3FAD] =	sst s1  }
0xa: {  	[smem:$0x3FAE] =	sst s2  }
0xb: {  	[smem:$0x3FAF] =	sst s3  }
0xc: {  	[smem:$0x3FB0] =	sst s4  }
0xd: {  	[smem:$0x3FB1] =	sst s5  }
0xe: {  	[smem:$0x3FB2] =	sst s6  }
0xf: {  	[smem:$0x3FB3] =	sst s7  }
0x10: {  	[smem:$0x3FB4] =	sst s8  }
0x11: {  	[smem:$0x3FB5] =	sst s9;
	s0 =	simm.s32 @!p0 $0x0  }
0x12: {  	s1 =	sld [smem:$0x3F9B];
	s0 =	simm.s32 @p0 $0x1  }
0x13: {  	[smem:$0x3FB6] =	sst s0;
	s0 =	simm.s32 @!p1 $0x0  }
0x14: {  	s2 =	sld [smem:$0x3F9A];
	s0 =	simm.s32 @p1 $0x1  }
0x15: {  	[smem:$0x3FB7] =	sst s0;
	s0 =	simm.s32 @!p2 $0x0  }
0x16: {  	s3 =	sld [smem:$0x3FDB];
	s0 =	simm.s32 @p2 $0x1  }
0x17: {  	s4 =	simm.s32 $0x1BF5;
	[smem:$0x3FB9] =	sst s0  }
0x18: {  	s0 =	sld [smem:$0x3F9C];
	_ =	swait.ge [sflag:s4], $0x0  }
0x19: {  	s7 =	sld [smem:$0x3F9D]  }
0x1a: {  	s8 =	sadd.s32 $0xFFFFE003, lr  }
0x1b: {  	s9 =	sadd.s32 $0xFFFFFEF7, lr;
	s5 =	simm.s32 $0xFFFFFFFF;
	p2 =	slt.u32 s8, $0xFFFFF086  }
0x1c: {  	p1 =	slt.u32 s9, $0xF7A;
	s5 =	simm.s32 @!p2 $0x0  }
0x1d: {  	s5 =	simm.s32 @p1 $0x1;
	p0 =	seq.s32 s7, s2  }
0x1e: {  	s7 =	smul.u32 @!p0 $0xF7A, s2;
	p2 =	seq.s32 @!p0 s5, $0x0  }
0x1f: {  	s9 =	smul.u32 $0xF7A, s1;
	s8 =	simm.s32 @!p0 $0x1BF5;
	p2 =	por !p2, p0  }
0x20: {  	[sflag:s8] =	ssyncset.s32 @!p0 $0xFFFFF086;
	s6 =	sadd.s32 @!p0 s3, s7;
	s7 =	simm.s32 @!p0 $0x108  }
0x21: {  	s3 =	sadd.s32 s3, s9;
	s6 =	sadd.s32 @!p0 $0x88, s6;
	s7 =	simm.s32 @p2 $0x1082  }
0x22: {  	[simem:s7], [sflag:s8] =	dma.local @!p0 [hbm:s6], $0xF7A  }
0x23: {  	s9 =	sor.u32 $0xD0000000, s2;
	s6 =	simm.s32 $0x108;
	_ =	swait.ge @!p0 [sflag:s8], $0x0  }
0x24: {  	s3 =	sadd.s32 $0x88, s3;
	s6 =	simm.s32 @!p1 $0x1082;
	[sflag:s4] =	ssyncset.s32 $0xFFFFF086  }
0x25: {  	[simem:s6], [sflag:s4] =	dma.local [hbm:s3], $0xF7A  }
0x26: {  	[smem:$0x3F9D] =	sst s1;
	(tag) =	ssettag s2;
	_ =	strace s9  }
0x27: {  	s1 =	sld [smem:$0x3FAD]  }
0x28: {  	s2 =	sld [smem:$0x3FAE]  }
0x29: {  	s4 =	sld [smem:$0x3FB0]  }
0x2a: {  	p0 =	seq.s32 s5, $0x0;
	s5 =	sld [smem:$0x3FB1]  }
0x2b: {  	s6 =	sld [smem:$0x3FB2]  }
0x2c: {  	s7 =	sld [smem:$0x3FB3]  }
0x2d: {  	s3 =	simm.s32 $0x108;
	s8 =	sld [smem:$0x3FB4]  }
0x2e: {  	s3 =	simm.s32 @!p0 $0x1082;
	s9 =	sld [smem:$0x3FB5]  }
0x2f: {  	lr =	sadd.s32 s0, s3;
	s0 =	sld [smem:$0x3FAC]  }
0x30: {  	s3 =	sld [smem:$0x3FAF]  }
0x31: {  	[smem:$0x3FB8] =	sst s10  }
0x32: {  	s10 =	sld [smem:$0x3FB6];
	_ =	sdelay $0x3  }
0x33: {  	p0 =	seq.s32 s10, $0x1;
	s10 =	sld [smem:$0x3FB8];
	_ =	sdelay $0x3  }
0x34: {  	[smem:$0x3FB8] =	sst s10  }
0x35: {  	s10 =	sld [smem:$0x3FB7];
	_ =	sdelay $0x3  }
0x36: {  	p1 =	seq.s32 s10, $0x1;
	s10 =	sld [smem:$0x3FB8];
	_ =	sdelay $0x3  }
0x37: {  	[smem:$0x3FB8] =	sst s10  }
0x38: {  	s10 =	sld [smem:$0x3FB9]  }
0x39: {  	_ = 	snop;
	(pc) =	sbr.ind lr, $3  }
0x3a: {  	_ = 	snop  }
0x3b: {  	_ = 	snop  }
0x3c: {  	p2 =	seq.s32 s10, $0x1;
	s10 =	sld [smem:$0x3FB8]  }
0x3d: {  	_ =	shalt  }
0x3e: {  	_ =	shalt  }
0x3f: {  	_ =	shalt  }
0x40: {  	_ =	shalt  }
0x41: {  	_ =	shalt  }
0x42: {  	_ =	shalt  }
0x43: {  	_ =	shalt  }
0x44: {  	_ =	shalt  }
0x45: {  	_ =	shalt  }
0x46: {  	_ =	shalt  }
0x47: {  	_ =	shalt  }
0x48: {  	_ =	shalt  }
0x49: {  	_ =	shalt  }
0x4a: {  	_ =	shalt  }
0x4b: {  	_ =	shalt  }
0x4c: {  	_ =	shalt  }
0x4d: {  	_ =	shalt  }
0x4e: {  	_ =	shalt  }
0x4f: {  	_ =	shalt  }
0x50: {  	_ =	shalt  }
0x51: {  	_ =	shalt  }
0x52: {  	_ =	shalt  }
0x53: {  	_ =	shalt  }
0x54: {  	_ =	shalt  }
0x55: {  	_ =	shalt  }
0x56: {  	_ =	shalt  }
0x57: {  	_ =	shalt  }
0x58: {  	_ =	shalt  }
0x59: {  	_ =	shalt  }
0x5a: {  	_ =	shalt  }
0x5b: {  	_ =	shalt  }
0x5c: {  	_ =	shalt  }
0x5d: {  	_ =	shalt  }
0x5e: {  	_ =	shalt  }
0x5f: {  	_ =	shalt  }
0x60: {  	_ =	shalt  }
0x61: {  	_ =	shalt  }
0x62: {  	_ =	shalt  }
0x63: {  	_ =	shalt  }
0x64: {  	_ =	shalt  }
0x65: {  	_ =	shalt  }
0x66: {  	_ =	shalt  }
0x67: {  	_ =	shalt  }
0x68: {  	_ =	shalt  }
0x69: {  	_ =	shalt  }
0x6a: {  	_ =	shalt  }
0x6b: {  	_ =	shalt  }
0x6c: {  	_ =	shalt  }
0x6d: {  	_ =	shalt  }
0x6e: {  	_ =	shalt  }
0x6f: {  	_ =	shalt  }
0x70: {  	_ =	shalt  }
0x71: {  	_ =	shalt  }
0x72: {  	_ =	shalt  }
0x73: {  	_ =	shalt  }
0x74: {  	_ =	shalt  }
0x75: {  	_ =	shalt  }
0x76: {  	_ =	shalt  }
0x77: {  	_ =	shalt  }
0x78: {  	_ =	shalt  }
0x79: {  	_ =	shalt  }
0x7a: {  	_ =	shalt  }
0x7b: {  	_ =	shalt  }
0x7c: {  	_ =	shalt  }
0x7d: {  	_ =	shalt  }
0x7e: {  	_ =	shalt  }
0x7f: {  	_ =	shalt  }
0x80: {  	_ =	shalt  }
0x81: {  	_ =	shalt  }
0x82: {  	_ =	shalt  }
0x83: {  	_ =	shalt  }
0x84: {  	_ =	shalt  }
0x85: {  	_ =	shalt  }
0x86: {  	_ =	shalt  }
0x87: {  	_ =	shalt  }
.Lfunc_end0:
.L_simem_size_0:
called_computation.1_lowered:
.L_overlay_start_0:
0x88: {  	s2 =	sld [smem:$0x3FD9]  }
0x89: {  	s3 =	sld [smem:$0x3FFE];
	_ =	sdelay $0x1  }
0x8a: {  	s1 =	srdreg.scid  }
0x8b: {  	s0 =	sand.u32 $0x1, s1  }
0x8c: {  	s17 =	sshll.u32 s0, $0xA;
	s2 =	sadd.s32 s3, s2  }
0x8d: {  	s2 =	sadd.s32 s2, s17  }
0x8e: {  	[smem:$0x3FC4] =	sst s2  }
0x8f: {  	_ = 	snop  }
0x90: {  	s2 =	sld [smem:$0x3FD0];
	(tm) =	ssettm $0x1  }
0x91: {  	s18 =	sld [smem:$0x3FFB];
	_ =	sdelay $0x3  }
0x92: {  	_ =	strace s18  }
0x93: {  	s3 =	sld [smem:$0x3FFC];
	_ =	sdelay $0x3  }
0x94: {  	_ =	strace s3  }
0x95: {  	s3 =	sld [smem:$0x3FFD];
	_ =	sdelay $0x3  }
0x96: {  	_ =	strace s3  }
0x97: {  	_ =	strace $0x8FFFFFFF  }
0x98: {  	s19 =	sld [smem:$0x3FDB];
	_ =	sdelay $0x1  }
0x99: {  	s4 =	simm.s32 $_scs_section_size  }
0x9a: {  	s5 =	simm.s32 $_size__tile_overlayer_lowered;
	s6 =	simm.s32 $_tile_overlayer_lowered  }
0x9b: {  	s22 =	simm.s32 $0x1BFF;
	s21 =	sshll.u32 s6, $0x1;
	s3 =	sadd.s32 s4, s19  }
0x9c: {  	s7 =	simm.s32 $0x0;
	s20 =	sshll.u32 s5, $0x1;
	s5 =	sadd.s32 s21, s3  }
0x9d: {  	[timem:s7], [sflag:s22] =	dma.local [hbm:s5], s20  }
0x9e: {  	_ =	swait.ge [sflag:s22], s20  }
0x9f: {  	s4 =	ssub.s32 $0x0, s20;
	[sflag:s22] =	ssyncset.done $0x0  }
0xa0: {  	[sflag:s22] =	ssyncadd.s32 s4;
	_ =	sdelay $0x1  }
0xa1: {  	s23 =	simm.s32 $0x1B8B  }
0xa2: {  	_ =	swait.ge [sflag:s23], $0x1  }
0xa3: {  	[sflag:s23] =	ssyncset.done $0x0  }
0xa4: {  	s25 =	simm.s32 $0x1B8E;
	s24 =	sld [smem:$0x3FFE];
	[sflag:s23] =	ssyncadd.s32 $0xFFFFFFFF  }
0xa5: {  	s26 =	simm.s32 $execute0_lowered;
	[smem:$0x3FD2] =	sst s25  }
0xa6: {  	s5 =	sshll.u32 s26, $0x1;
	_ =	strace $0x80000046;
	[dreg:$0x1] =	wrdreg $0xFFFFFFFF  }
0xa7: {  	s28 =	simm.s32 $_size_execute0_lowered;
	s3 =	sadd.s32 s3, s5;
	[dreg:$0x0] =	wrdreg $0x0  }
0xa8: {  	s5 =	sshll.u32 s28, $0x1;
	[dreg:$0x2] =	wrdreg s3  }
0xa9: {  	[dreg:$0x3] =	wrdreg s5  }
0xaa: {  	[dreg:$0x4] =	wrdreg $0xC0  }
0xab: {  	_ =	task [dreg:s7], $0x5FFFF  }
0xac: {  	[dreg:$0x1] =	wrdreg $0xFFFFFFFF  }
0xad: {  	[dreg:$0x0] =	wrdreg $0x60  }
0xae: {  	[dreg:$0x2] =	wrdreg s2  }
0xaf: {  	[dreg:$0x3] =	wrdreg s24  }
0xb0: {  	[dreg:$0x4] =	wrdreg $0xA  }
0xb1: {  	_ =	task.clear_ibuf [dreg:s7], $0x5FFFF;
	_ =	strace $0x90000046  }
0xb2: {  	s29 =	simm.s32 $0xA;
	_ =	strace $0x80000048  }
0xb3: {  	_ =	swait.ge [sflag:s29], $0x1  }
0xb4: {  	[sflag:s29] =	ssyncadd.s32 $0xFFFFFFFF  }
0xb5: {  	_ =	strace $0x90000048  }
0xb6: {  	_ =	sfence  }
0xb7: {  	s30 =	sld [smem:$0x0];
	_ =	sdelay $0x2  }
0xb8: {  	s31 =	sshll.u32 s1, $0xD;
	s1 =	sshrl.u32 s1, $0x2  }
0xb9: {  	s3 =	sand.u32 $0x4000, s31;
	s1 =	sadd.s32 s1, s30  }
0xba: {  	s0 =	sor.u32 s3, s0;
	s1 =	sshll.u32 s1, $0x11  }
0xbb: {  	s0 =	sor.u32 s1, s0  }
0xbc: {  	s0 =	sadd.s32 $0x8F2B, s0  }
0xbd: {  	[sflag:s0] =	ssyncadd.remote.s32 $0x1  }
0xbe: {  	_ =	sfence.sel $0xFFFF  }
0xbf: {  	[dreg:$0x0] =	wrdreg $0xFFFFFFFF;
	(pc) =	sbr.abs _section_cstart, $3  }
0xc0: {  	[dreg:$0x1] =	wrdreg $0xFFFFFFFF  }
0xc1: {  	_ =	task.clear_ibuf [dreg:s7], $0x2FFFF;
	_ =	strace $0x9FFFFFFF  }
0xc2: {  	(tm) =	ssettm $0x7FFFFFFF  }
0xc3: {  	_ =	shalt  }
tec
execute0_lowered:
.L_overlay_start_1:
0x0: {  	(tag) =	ssettag $0x1  }
0x1: {  	s2 =	rddreg [dreg:$0x0]  }
0x2: {  	s4 =	rddreg [dreg:$0x1]  }
0x3: {  	s0 =	rddreg [dreg:$0x2];
	s1 =	stileid.u32  }
0x4: {  	s5 =	srdreg.scid;
	s3 =	simm.s32 $0x0;
	s6 =	smul.u32 $0x1400, s1  }
0x5: {  	s10 =	simm.s32 $0x0;
	s5 =	sand.u32 $0x1, s5;
	s8 =	smul.u32 $0xA000, s1  }
0x6: {  	[smem:$0x7FF] =	sst s3;
	s7 =	smul.u32 $0xA00, s5;
	s9 =	ssub.s32 $0x2, s5  }
0x7: {  	_ =	strace $0x80000047;
	s5 =	smul.u32 $0x5000, s5;
	s31 =	sshrl.u32 s9, $0x1  }
0x8: {  	s8 =	sadd.s32 s8, s4;
	s6 =	sadd.s32 s7, s6;
	s7 =	ssub.s32 s9, s31  }
0x9: {  	s5 =	sadd.s32 s5, s8;
	s8 =	simm.s32 $0x80;
	s6 =	sshrl.u32 s6, $0x3  }
0xa: {  	s9 =	simm.s32 $0x1;
	s5 =	sadd.s32 $0x3C00, s5;
	s6 =	sadd.s32 s6, s4  }
0xb: {  	s4 =	smax.u32 s7, $0x1;
	s7 =	simm.s32 $0x2;
	s6 =	sadd.s32 $0x1400, s6  }
.LBB2_1:
0xc: {  	s11 =	sadd.s32 $0x0, s6  }
0xd: {  	[tilespmem:s3], [sflag:$0x2] =	stream.linear.gather [hbm4b:s11+s3], $0x80, $0x38;
	[tilespmem:$0x2080] =	vst v63  }
0xe: {  	_ =	swait.ge [sflag:s7], $0x80  }
0xf: {  	[sflag:s7] =	ssyncset.done $0x0  }
0x10: {  	[sflag:s7] =	ssyncadd.s32 $0xFFFFFF80  }
0x11: {  	[tilespmem:s8], [sflag:$0x1] =	stream.indirect.gather [hbm4b:s2+s8], $0x40, s3, s8, $0xb8;
	[tilespmem:$0x2080] =	vst v63  }
0x12: {  	_ =	swait.ge [sflag:s9], $0x2000  }
0x13: {  	[sflag:s9] =	ssyncset.done $0x0  }
0x14: {  	[sflag:s9] =	ssyncadd.s32 $0xFFFFE000  }
0x15: {  	[hbm4b:s5+s3] =	stream.linear.scatter [tilespmem:s8], [sflag:$0x2], $0x2000, $0x38;
	[tilespmem:$0x2080] =	vst v63  }
0x16: {  	s12 =	simm.s32 $0x10;
	_ =	swait.ge [sflag:s7], $0x2000  }
0x17: {  	s13 =	simm.s32 $0x20;
	s11 =	sadd.s32 $0x400, s5;
	[sflag:s7] =	ssyncset.done $0x0  }
.LBB2_2:
0x18: {  	s14 =	sadd.s32 s12, s6  }
0x19: {  	[sflag:s7] =	ssyncadd.s32 $0xFFFFE000;
	s12 =	smov.u32 s13;
	s15 =	sadd.s32 $0x10, s13  }
0x1a: {  	[tilespmem:s3], [sflag:$0x2] =	stream.linear.gather [hbm4b:s14+s3], $0x80, $0x38;
	[tilespmem:$0x2080] =	vst v63  }
0x1b: {  	p0 =	sne.s32 s13, $0x130;
	_ =	swait.ge [sflag:s7], $0x80  }
0x1c: {  	[sflag:s7] =	ssyncset.done $0x0  }
0x1d: {  	[sflag:s7] =	ssyncadd.s32 $0xFFFFFF80  }
0x1e: {  	[tilespmem:s8], [sflag:$0x1] =	stream.indirect.gather [hbm4b:s2+s8], $0x40, s3, s8, $0xb8;
	[tilespmem:$0x2080] =	vst v63  }
0x1f: {  	_ =	swait.ge [sflag:s9], $0x2000  }
.Ltmp0:
0x20: {  	[sflag:s9] =	ssyncset.done $0x0;
	(pc) =	sbr.rel @p0 .LBB2_2-.Ltmp0, $4  }
0x21: {  	[sflag:s9] =	ssyncadd.s32 $0xFFFFE000  }
0x22: {  	[hbm4b:s11+s3] =	stream.linear.scatter [tilespmem:s8], [sflag:$0x2], $0x2000, $0x38;
	[tilespmem:$0x2080] =	vst v63  }
0x23: {  	_ =	swait.ge [sflag:s7], $0x2000  }
0x24: {  	s13 =	smov.u32 s15;
	s11 =	sadd.s32 $0x400, s11;
	[sflag:s7] =	ssyncset.done $0x0  }
0x25: {  	s12 =	sadd.s32 s12, s6;
	[sflag:s7] =	ssyncadd.s32 $0xFFFFE000  }
0x26: {  	[tilespmem:s3], [sflag:$0x2] =	stream.linear.gather [hbm4b:s12+s3], $0x80, $0x38;
	[tilespmem:$0x2080] =	vst v63  }
0x27: {  	_ =	swait.ge [sflag:s7], $0x80  }
0x28: {  	[sflag:s7] =	ssyncset.done $0x0  }
0x29: {  	[sflag:s7] =	ssyncadd.s32 $0xFFFFFF80  }
0x2a: {  	[tilespmem:s8], [sflag:$0x1] =	stream.indirect.gather [hbm4b:s2+s8], $0x40, s3, s8, $0xb8;
	[tilespmem:$0x2080] =	vst v63  }
0x2b: {  	s10 =	sadd.s32 $0x1, s10;
	_ =	swait.ge [sflag:s9], $0x2000  }
0x2c: {  	p0 =	sne.s32 s10, s4;
	[sflag:s9] =	ssyncset.done $0x0  }
.Ltmp1:
0x2d: {  	[sflag:s9] =	ssyncadd.s32 $0xFFFFE000;
	(pc) =	sbr.rel @p0 .LBB2_1-.Ltmp1, $4  }
0x2e: {  	[hbm4b:s11+s3] =	stream.linear.scatter [tilespmem:s8], [sflag:$0x2], $0x2000, $0x38;
	[tilespmem:$0x2080] =	vst v63  }
0x2f: {  	_ =	swait.ge [sflag:s7], $0x2000  }
0x30: {  	[sflag:s7] =	ssyncset.done $0x0  }
0x31: {  	[sflag:s7] =	ssyncadd.s32 $0xFFFFE000  }
0x32: {  	_ =	sfence.sel $0x180000  }
0x33: {  	[bflag:$0x0] =	sbarrier.arrive $0xFFFF  }
0x34: {  	p0 =	sne.s32 s1, $0x0;
	_ =	strace $0x90000047  }
0x35: {  	s0 =	sadd.s32 @!p0 $0x100000, s0;
	[bflag:$0x2] =	sbarrier.arrive $0xFFFF  }
0x36: {  	[sflag:s0] =	ssyncadd.tile.s32 @!p0 $0x1;
	_ =	shalt  }
.Lfunc_end2:
_tile_overlayer_lowered:
.L_overlay_start_2:
0x37: {  	(tag) =	ssettag $0x2  }
0x38: {  	s0 =	rddreg [dreg:$0x0];
	s2 =	stileid.u32  }
0x39: {  	s1 =	rddreg [dreg:$0x1];
	p0 =	sne.s32 s2, $0x0  }
0x3a: {  	s3 =	rddreg [dreg:$0x2];
	[bflag:$0x3] =	sbarrier.arrive $0xFFFF;
	s2 =	simm.s32 @!p0 $0x1C02  }
0x3b: {  	[timem:s3], [sflag:s2] =	dma.local @!p0 [hbm:s0], s1  }
0x3c: {  	s0 =	simm.s32 @!p0 $0x2  }
0x3d: {  	_ =	swait.ge @!p0 [sflag:s0], s1  }
0x3e: {  	s1 =	ssub.s32 @!p0 $0x0, s1;
	[sflag:s0] =	ssyncset.done @!p0 $0x0  }
0x3f: {  	[sflag:s0] =	ssyncadd.s32 @!p0 s1  }
0x40: {  	[bflag:$0x3] =	sbarrier.arrive $0xFFFF  }
0x41: {  	_ =	shalt  }

// kernel: kernel.8.cloned.1.call-start
scs
__scs_entry_jumppad:
0x0: {  	(pc) =	sbr.rel $0x88, $3  }
0x1: {  	(tag) =	ssettag $0x0;
	lr =	simm.s32 $0x1  }
0x2: {  	[smem:$0x3F9D] =	sst lr;
	_ =	strace $0xD0000000  }
0x3: {  	_ = 	snop  }
0x4: {  	_ = 	snop  }
0x5: {  	_ = 	snop  }
0x6: {  	_ = 	snop  }
0x7: {  	_ = 	snop  }
__scs_overlays_trampoline_lowered:
0x8: {  	[smem:$0x3FAC] =	sst s0  }
0x9: {  	[smem:$0x3FAD] =	sst s1  }
0xa: {  	[smem:$0x3FAE] =	sst s2  }
0xb: {  	[smem:$0x3FAF] =	sst s3  }
0xc: {  	[smem:$0x3FB0] =	sst s4  }
0xd: {  	[smem:$0x3FB1] =	sst s5  }
0xe: {  	[smem:$0x3FB2] =	sst s6  }
0xf: {  	[smem:$0x3FB3] =	sst s7  }
0x10: {  	[smem:$0x3FB4] =	sst s8  }
0x11: {  	[smem:$0x3FB5] =	sst s9;
	s0 =	simm.s32 @!p0 $0x0  }
0x12: {  	s1 =	sld [smem:$0x3F9B];
	s0 =	simm.s32 @p0 $0x1  }
0x13: {  	[smem:$0x3FB6] =	sst s0;
	s0 =	simm.s32 @!p1 $0x0  }
0x14: {  	s2 =	sld [smem:$0x3F9A];
	s0 =	simm.s32 @p1 $0x1  }
0x15: {  	[smem:$0x3FB7] =	sst s0;
	s0 =	simm.s32 @!p2 $0x0  }
0x16: {  	s3 =	sld [smem:$0x3FDB];
	s0 =	simm.s32 @p2 $0x1  }
0x17: {  	s4 =	simm.s32 $0x1BF5;
	[smem:$0x3FB9] =	sst s0  }
0x18: {  	s0 =	sld [smem:$0x3F9C];
	_ =	swait.ge [sflag:s4], $0x0  }
0x19: {  	s7 =	sld [smem:$0x3F9D]  }
0x1a: {  	s8 =	sadd.s32 $0xFFFFE003, lr  }
0x1b: {  	s9 =	sadd.s32 $0xFFFFFEF7, lr;
	s5 =	simm.s32 $0xFFFFFFFF;
	p2 =	slt.u32 s8, $0xFFFFF086  }
0x1c: {  	p1 =	slt.u32 s9, $0xF7A;
	s5 =	simm.s32 @!p2 $0x0  }
0x1d: {  	s5 =	simm.s32 @p1 $0x1;
	p0 =	seq.s32 s7, s2  }
0x1e: {  	s7 =	smul.u32 @!p0 $0xF7A, s2;
	p2 =	seq.s32 @!p0 s5, $0x0  }
0x1f: {  	s9 =	smul.u32 $0xF7A, s1;
	s8 =	simm.s32 @!p0 $0x1BF5;
	p2 =	por !p2, p0  }
0x20: {  	[sflag:s8] =	ssyncset.s32 @!p0 $0xFFFFF086;
	s6 =	sadd.s32 @!p0 s3, s7;
	s7 =	simm.s32 @!p0 $0x108  }
0x21: {  	s3 =	sadd.s32 s3, s9;
	s6 =	sadd.s32 @!p0 $0x88, s6;
	s7 =	simm.s32 @p2 $0x1082  }
0x22: {  	[simem:s7], [sflag:s8] =	dma.local @!p0 [hbm:s6], $0xF7A  }
0x23: {  	s9 =	sor.u32 $0xD0000000, s2;
	s6 =	simm.s32 $0x108;
	_ =	swait.ge @!p0 [sflag:s8], $0x0  }
0x24: {  	s3 =	sadd.s32 $0x88, s3;
	s6 =	simm.s32 @!p1 $0x1082;
	[sflag:s4] =	ssyncset.s32 $0xFFFFF086  }
0x25: {  	[simem:s6], [sflag:s4] =	dma.local [hbm:s3], $0xF7A  }
0x26: {  	[smem:$0x3F9D] =	sst s1;
	(tag) =	ssettag s2;
	_ =	strace s9  }
0x27: {  	s1 =	sld [smem:$0x3FAD]  }
0x28: {  	s2 =	sld [smem:$0x3FAE]  }
0x29: {  	s4 =	sld [smem:$0x3FB0]  }
0x2a: {  	p0 =	seq.s32 s5, $0x0;
	s5 =	sld [smem:$0x3FB1]  }
0x2b: {  	s6 =	sld [smem:$0x3FB2]  }
0x2c: {  	s7 =	sld [smem:$0x3FB3]  }
0x2d: {  	s3 =	simm.s32 $0x108;
	s8 =	sld [smem:$0x3FB4]  }
0x2e: {  	s3 =	simm.s32 @!p0 $0x1082;
	s9 =	sld [smem:$0x3FB5]  }
0x2f: {  	lr =	sadd.s32 s0, s3;
	s0 =	sld [smem:$0x3FAC]  }
0x30: {  	s3 =	sld [smem:$0x3FAF]  }
0x31: {  	[smem:$0x3FB8] =	sst s10  }
0x32: {  	s10 =	sld [smem:$0x3FB6];
	_ =	sdelay $0x3  }
0x33: {  	p0 =	seq.s32 s10, $0x1;
	s10 =	sld [smem:$0x3FB8];
	_ =	sdelay $0x3  }
0x34: {  	[smem:$0x3FB8] =	sst s10  }
0x35: {  	s10 =	sld [smem:$0x3FB7];
	_ =	sdelay $0x3  }
0x36: {  	p1 =	seq.s32 s10, $0x1;
	s10 =	sld [smem:$0x3FB8];
	_ =	sdelay $0x3  }
0x37: {  	[smem:$0x3FB8] =	sst s10  }
0x38: {  	s10 =	sld [smem:$0x3FB9]  }
0x39: {  	_ = 	snop;
	(pc) =	sbr.ind lr, $3  }
0x3a: {  	_ = 	snop  }
0x3b: {  	_ = 	snop  }
0x3c: {  	p2 =	seq.s32 s10, $0x1;
	s10 =	sld [smem:$0x3FB8]  }
0x3d: {  	_ =	shalt  }
0x3e: {  	_ =	shalt  }
0x3f: {  	_ =	shalt  }
0x40: {  	_ =	shalt  }
0x41: {  	_ =	shalt  }
0x42: {  	_ =	shalt  }
0x43: {  	_ =	shalt  }
0x44: {  	_ =	shalt  }
0x45: {  	_ =	shalt  }
0x46: {  	_ =	shalt  }
0x47: {  	_ =	shalt  }
0x48: {  	_ =	shalt  }
0x49: {  	_ =	shalt  }
0x4a: {  	_ =	shalt  }
0x4b: {  	_ =	shalt  }
0x4c: {  	_ =	shalt  }
0x4d: {  	_ =	shalt  }
0x4e: {  	_ =	shalt  }
0x4f: {  	_ =	shalt  }
0x50: {  	_ =	shalt  }
0x51: {  	_ =	shalt  }
0x52: {  	_ =	shalt  }
0x53: {  	_ =	shalt  }
0x54: {  	_ =	shalt  }
0x55: {  	_ =	shalt  }
0x56: {  	_ =	shalt  }
0x57: {  	_ =	shalt  }
0x58: {  	_ =	shalt  }
0x59: {  	_ =	shalt  }
0x5a: {  	_ =	shalt  }
0x5b: {  	_ =	shalt  }
0x5c: {  	_ =	shalt  }
0x5d: {  	_ =	shalt  }
0x5e: {  	_ =	shalt  }
0x5f: {  	_ =	shalt  }
0x60: {  	_ =	shalt  }
0x61: {  	_ =	shalt  }
0x62: {  	_ =	shalt  }
0x63: {  	_ =	shalt  }
0x64: {  	_ =	shalt  }
0x65: {  	_ =	shalt  }
0x66: {  	_ =	shalt  }
0x67: {  	_ =	shalt  }
0x68: {  	_ =	shalt  }
0x69: {  	_ =	shalt  }
0x6a: {  	_ =	shalt  }
0x6b: {  	_ =	shalt  }
0x6c: {  	_ =	shalt  }
0x6d: {  	_ =	shalt  }
0x6e: {  	_ =	shalt  }
0x6f: {  	_ =	shalt  }
0x70: {  	_ =	shalt  }
0x71: {  	_ =	shalt  }
0x72: {  	_ =	shalt  }
0x73: {  	_ =	shalt  }
0x74: {  	_ =	shalt  }
0x75: {  	_ =	shalt  }
0x76: {  	_ =	shalt  }
0x77: {  	_ =	shalt  }
0x78: {  	_ =	shalt  }
0x79: {  	_ =	shalt  }
0x7a: {  	_ =	shalt  }
0x7b: {  	_ =	shalt  }
0x7c: {  	_ =	shalt  }
0x7d: {  	_ =	shalt  }
0x7e: {  	_ =	shalt  }
0x7f: {  	_ =	shalt  }
0x80: {  	_ =	shalt  }
0x81: {  	_ =	shalt  }
0x82: {  	_ =	shalt  }
0x83: {  	_ =	shalt  }
0x84: {  	_ =	shalt  }
0x85: {  	_ =	shalt  }
0x86: {  	_ =	shalt  }
0x87: {  	_ =	shalt  }
.Lfunc_end0:
.L_simem_size_0:
called_computation_lowered:
.L_overlay_start_0:
0x88: {  	s2 =	sld [smem:$0x3FD9]  }
0x89: {  	s3 =	sld [smem:$0x3FFE];
	_ =	sdelay $0x1  }
0x8a: {  	s1 =	srdreg.scid  }
0x8b: {  	s0 =	sand.u32 $0x1, s1  }
0x8c: {  	s17 =	sshll.u32 s0, $0xA;
	s2 =	sadd.s32 s3, s2  }
0x8d: {  	s2 =	sadd.s32 s2, s17  }
0x8e: {  	[smem:$0x3FC4] =	sst s2  }
0x8f: {  	_ = 	snop  }
0x90: {  	(tm) =	ssettm $0x1  }
0x91: {  	s18 =	sld [smem:$0x3FFB];
	_ =	sdelay $0x3  }
0x92: {  	_ =	strace s18  }
0x93: {  	s2 =	sld [smem:$0x3FFC];
	_ =	sdelay $0x3  }
0x94: {  	_ =	strace s2  }
0x95: {  	s2 =	sld [smem:$0x3FFD];
	_ =	sdelay $0x3  }
0x96: {  	_ =	strace s2  }
0x97: {  	_ =	strace $0x8FFFFFFF  }
0x98: {  	s19 =	sld [smem:$0x3FDB];
	_ =	sdelay $0x1  }
0x99: {  	s20 =	simm.s32 $_scs_section_size  }
0x9a: {  	s4 =	simm.s32 $_size__tile_overlayer_lowered;
	s5 =	simm.s32 $_tile_overlayer_lowered  }
0x9b: {  	s6 =	simm.s32 $0x1BFF;
	s21 =	sshll.u32 s5, $0x1;
	s3 =	sadd.s32 s20, s19  }
0x9c: {  	s22 =	simm.s32 $0x0;
	s4 =	sshll.u32 s4, $0x1;
	s5 =	sadd.s32 s21, s3  }
0x9d: {  	[timem:s22], [sflag:s6] =	dma.local [hbm:s5], s4  }
0x9e: {  	_ =	swait.ge [sflag:s6], s4  }
0x9f: {  	s4 =	ssub.s32 $0x0, s4;
	[sflag:s6] =	ssyncset.done $0x0  }
0xa0: {  	[sflag:s6] =	ssyncadd.s32 s4;
	_ =	sdelay $0x1  }
0xa1: {  	s23 =	simm.s32 $0x1B8B  }
0xa2: {  	_ =	swait.ge [sflag:s23], $0x1  }
0xa3: {  	[sflag:s23] =	ssyncset.done $0x0  }
0xa4: {  	[sflag:s23] =	ssyncadd.s32 $0xFFFFFFFF  }
0xa5: {  	s4 =	sld [smem:$0x0]  }
0xa6: {  	s5 =	sand.u32 $0xFFFFFFFE, s1  }
0xa7: {  	p0 =	sne.s32 s1, s5  }
0xa8: {  	s5 =	sshll.u32 @p0 s5, $0xE  }
0xa9: {  	s5 =	sadd.s32 @p0 $0x11B8D, s5;
	s6 =	sshll.u32 @p0 s4, $0x11  }
0xaa: {  	s5 =	sor.u32 @p0 s6, s5  }
0xab: {  	[sflag:s5] =	ssyncadd.remote.s32 @p0 $0x1;
	_ =	sdelay $0x1  }
0xac: {  	s5 =	simm.s32 @p0 $0x1B8D  }
0xad: {  	_ =	swait.eq @p0 [sflag:s5], $0x1  }
0xae: {  	[sflag:s5] =	ssyncadd.s32 @p0 $0xFFFFFFFF  }
0xaf: {  	s6 =	sshll.u32 @!p0 s1, $0xE  }
0xb0: {  	s6 =	sor.u32 @!p0 $0x4000, s6;
	s5 =	simm.s32 @!p0 $0x1B8D  }
0xb1: {  	s4 =	sshll.u32 @!p0 s4, $0x11;
	s6 =	sadd.s32 @!p0 $0x11B8D, s6;
	_ =	swait.eq @!p0 [sflag:s5], $0x1  }
0xb2: {  	s4 =	sor.u32 @!p0 s4, s6;
	[sflag:s5] =	ssyncadd.s32 @!p0 $0xFFFFFFFF  }
0xb3: {  	s25 =	simm.s32 $0x1B8E;
	s24 =	sld [smem:$0x3FFE];
	[sflag:s4] =	ssyncadd.remote.s32 @!p0 $0x1  }
0xb4: {  	s26 =	simm.s32 $execute0_lowered;
	[smem:$0x3FD2] =	sst s25  }
0xb5: {  	s5 =	sshll.u32 s26, $0x1;
	_ =	strace $0x80000049;
	[dreg:$0x1] =	wrdreg $0xFFFFFFFF  }
0xb6: {  	s28 =	simm.s32 $_size_execute0_lowered;
	s3 =	sadd.s32 s3, s5;
	[dreg:$0x0] =	wrdreg $0x0  }
0xb7: {  	s5 =	sshll.u32 s28, $0x1;
	[dreg:$0x2] =	wrdreg s3  }
0xb8: {  	[dreg:$0x3] =	wrdreg s5  }
0xb9: {  	[dreg:$0x4] =	wrdreg $0xC0  }
0xba: {  	_ =	task [dreg:s22], $0x5FFFF  }
0xbb: {  	[dreg:$0x1] =	wrdreg $0xFFFFFFFF  }
0xbc: {  	[dreg:$0x0] =	wrdreg $0x60  }
0xbd: {  	[dreg:$0x2] =	wrdreg s24  }
0xbe: {  	[dreg:$0x3] =	wrdreg $0x9  }
0xbf: {  	_ =	task.clear_ibuf [dreg:s22], $0x4FFFF;
	_ =	strace $0x90000049  }
0xc0: {  	s29 =	simm.s32 $0x9;
	_ =	strace $0x8000004B  }
0xc1: {  	_ =	swait.ge [sflag:s29], $0x1  }
0xc2: {  	[sflag:s29] =	ssyncadd.s32 $0xFFFFFFFF  }
0xc3: {  	_ =	strace $0x9000004B  }
0xc4: {  	_ =	sfence  }
0xc5: {  	s30 =	sld [smem:$0x0];
	_ =	sdelay $0x2  }
0xc6: {  	s31 =	sshll.u32 s1, $0xD;
	s1 =	sshrl.u32 s1, $0x2  }
0xc7: {  	s4 =	sand.u32 $0x4000, s31;
	s1 =	sadd.s32 s1, s30  }
0xc8: {  	s0 =	sor.u32 s4, s0;
	s1 =	sshll.u32 s1, $0x11  }
0xc9: {  	s0 =	sor.u32 s1, s0  }
0xca: {  	s0 =	sadd.s32 $0x8F2B, s0  }
0xcb: {  	[sflag:s0] =	ssyncadd.remote.s32 $0x1  }
0xcc: {  	_ =	sfence.sel $0xFFFF  }
0xcd: {  	[dreg:$0x0] =	wrdreg $0xFFFFFFFF;
	(pc) =	sbr.abs _section_cstart, $3  }
0xce: {  	[dreg:$0x1] =	wrdreg $0xFFFFFFFF  }
0xcf: {  	_ =	task.clear_ibuf [dreg:s22], $0x2FFFF;
	_ =	strace $0x9FFFFFFF  }
0xd0: {  	(tm) =	ssettm $0x7FFFFFFF  }
0xd1: {  	_ =	shalt  }
tec
execute0_lowered:
.L_overlay_start_1:
0x0: {  	(tag) =	ssettag $0x1  }
0x1: {  	s4 =	rddreg [dreg:$0x0]  }
0x2: {  	s0 =	rddreg [dreg:$0x1];
	s2 =	simm.s32 $0x0;
	s1 =	stileid.u32  }
0x3: {  	s3 =	srdreg.scid;
	s10 =	simm.s32 $0x0;
	s6 =	smul.u32 $0x1400, s1  }
0x4: {  	[smem:$0x7FF] =	sst s2;
	s5 =	sand.u32 $0x1, s3;
	s8 =	smul.u32 $0xA000, s1  }
0x5: {  	s3 =	sadd.s32 $0xA3C00, s4;
	s7 =	smul.u32 $0xA00, s5;
	s9 =	ssub.s32 $0x2, s5  }
0x6: {  	_ =	strace $0x8000004A;
	s5 =	smul.u32 $0x5000, s5;
	s31 =	sshrl.u32 s9, $0x1  }
0x7: {  	s8 =	sadd.s32 s8, s4;
	s6 =	sadd.s32 s7, s6;
	s7 =	ssub.s32 s9, s31  }
0x8: {  	s5 =	sadd.s32 s5, s8;
	s8 =	simm.s32 $0x80;
	s6 =	sshrl.u32 s6, $0x3  }
0x9: {  	s9 =	simm.s32 $0x1;
	s5 =	sadd.s32 $0xAE400, s5;
	s6 =	sadd.s32 s6, s4  }
0xa: {  	s4 =	smax.u32 s7, $0x1;
	s7 =	simm.s32 $0x2;
	s6 =	sadd.s32 $0xABC00, s6  }
.LBB2_1:
0xb: {  	s11 =	sadd.s32 $0x0, s6  }
0xc: {  	[tilespmem:s2], [sflag:$0x2] =	stream.linear.gather [hbm4b:s11+s2], $0x80, $0x38;
	[tilespmem:$0x2080] =	vst v63  }
0xd: {  	_ =	swait.ge [sflag:s7], $0x80  }
0xe: {  	[sflag:s7] =	ssyncset.done $0x0  }
0xf: {  	[sflag:s7] =	ssyncadd.s32 $0xFFFFFF80  }
0x10: {  	[tilespmem:s8], [sflag:$0x1] =	stream.indirect.gather [hbm4b:s3+s8], $0x40, s2, s8, $0xb8;
	[tilespmem:$0x2080] =	vst v63  }
0x11: {  	_ =	swait.ge [sflag:s9], $0x2000  }
0x12: {  	[sflag:s9] =	ssyncset.done $0x0  }
0x13: {  	[sflag:s9] =	ssyncadd.s32 $0xFFFFE000  }
0x14: {  	[hbm4b:s5+s2] =	stream.linear.scatter [tilespmem:s8], [sflag:$0x2], $0x2000, $0x38;
	[tilespmem:$0x2080] =	vst v63  }
0x15: {  	s12 =	simm.s32 $0x10;
	_ =	swait.ge [sflag:s7], $0x2000  }
0x16: {  	s13 =	simm.s32 $0x20;
	s11 =	sadd.s32 $0x400, s5;
	[sflag:s7] =	ssyncset.done $0x0  }
.LBB2_2:
0x17: {  	s14 =	sadd.s32 s12, s6  }
0x18: {  	[sflag:s7] =	ssyncadd.s32 $0xFFFFE000;
	s12 =	smov.u32 s13;
	s15 =	sadd.s32 $0x10, s13  }
0x19: {  	[tilespmem:s2], [sflag:$0x2] =	stream.linear.gather [hbm4b:s14+s2], $0x80, $0x38;
	[tilespmem:$0x2080] =	vst v63  }
0x1a: {  	p0 =	sne.s32 s13, $0x130;
	_ =	swait.ge [sflag:s7], $0x80  }
0x1b: {  	[sflag:s7] =	ssyncset.done $0x0  }
0x1c: {  	[sflag:s7] =	ssyncadd.s32 $0xFFFFFF80  }
0x1d: {  	[tilespmem:s8], [sflag:$0x1] =	stream.indirect.gather [hbm4b:s3+s8], $0x40, s2, s8, $0xb8;
	[tilespmem:$0x2080] =	vst v63  }
0x1e: {  	_ =	swait.ge [sflag:s9], $0x2000  }
.Ltmp0:
0x1f: {  	[sflag:s9] =	ssyncset.done $0x0;
	(pc) =	sbr.rel @p0 .LBB2_2-.Ltmp0, $4  }
0x20: {  	[sflag:s9] =	ssyncadd.s32 $0xFFFFE000  }
0x21: {  	[hbm4b:s11+s2] =	stream.linear.scatter [tilespmem:s8], [sflag:$0x2], $0x2000, $0x38;
	[tilespmem:$0x2080] =	vst v63  }
0x22: {  	_ =	swait.ge [sflag:s7], $0x2000  }
0x23: {  	s13 =	smov.u32 s15;
	s11 =	sadd.s32 $0x400, s11;
	[sflag:s7] =	ssyncset.done $0x0  }
0x24: {  	s12 =	sadd.s32 s12, s6;
	[sflag:s7] =	ssyncadd.s32 $0xFFFFE000  }
0x25: {  	[tilespmem:s2], [sflag:$0x2] =	stream.linear.gather [hbm4b:s12+s2], $0x80, $0x38;
	[tilespmem:$0x2080] =	vst v63  }
0x26: {  	_ =	swait.ge [sflag:s7], $0x80  }
0x27: {  	[sflag:s7] =	ssyncset.done $0x0  }
0x28: {  	[sflag:s7] =	ssyncadd.s32 $0xFFFFFF80  }
0x29: {  	[tilespmem:s8], [sflag:$0x1] =	stream.indirect.gather [hbm4b:s3+s8], $0x40, s2, s8, $0xb8;
	[tilespmem:$0x2080] =	vst v63  }
0x2a: {  	s10 =	sadd.s32 $0x1, s10;
	_ =	swait.ge [sflag:s9], $0x2000  }
0x2b: {  	p0 =	sne.s32 s10, s4;
	[sflag:s9] =	ssyncset.done $0x0  }
.Ltmp1:
0x2c: {  	[sflag:s9] =	ssyncadd.s32 $0xFFFFE000;
	(pc) =	sbr.rel @p0 .LBB2_1-.Ltmp1, $4  }
0x2d: {  	[hbm4b:s11+s2] =	stream.linear.scatter [tilespmem:s8], [sflag:$0x2], $0x2000, $0x38;
	[tilespmem:$0x2080] =	vst v63  }
0x2e: {  	_ =	swait.ge [sflag:s7], $0x2000  }
0x2f: {  	[sflag:s7] =	ssyncset.done $0x0  }
0x30: {  	[sflag:s7] =	ssyncadd.s32 $0xFFFFE000  }
0x31: {  	_ =	sfence.sel $0x180000  }
0x32: {  	[bflag:$0x0] =	sbarrier.arrive $0xFFFF  }
0x33: {  	p0 =	sne.s32 s1, $0x0;
	_ =	strace $0x9000004A  }
0x34: {  	s0 =	sadd.s32 @!p0 $0x100000, s0;
	[bflag:$0x2] =	sbarrier.arrive $0xFFFF  }
0x35: {  	[sflag:s0] =	ssyncadd.tile.s32 @!p0 $0x1;
	_ =	shalt  }
.Lfunc_end2:
_tile_overlayer_lowered:
.L_overlay_start_2:
0x36: {  	(tag) =	ssettag $0x2  }
0x37: {  	s0 =	rddreg [dreg:$0x0];
	s2 =	stileid.u32  }
0x38: {  	s1 =	rddreg [dreg:$0x1];
	p0 =	sne.s32 s2, $0x0  }
0x39: {  	s3 =	rddreg [dreg:$0x2];
	[bflag:$0x3] =	sbarrier.arrive $0xFFFF;
	s2 =	simm.s32 @!p0 $0x1C02  }
0x3a: {  	[timem:s3], [sflag:s2] =	dma.local @!p0 [hbm:s0], s1  }
0x3b: {  	s0 =	simm.s32 @!p0 $0x2  }
0x3c: {  	_ =	swait.ge @!p0 [sflag:s0], s1  }
0x3d: {  	s1 =	ssub.s32 @!p0 $0x0, s1;
	[sflag:s0] =	ssyncset.done @!p0 $0x0  }
0x3e: {  	[sflag:s0] =	ssyncadd.s32 @!p0 s1  }
0x3f: {  	[bflag:$0x3] =	sbarrier.arrive $0xFFFF  }
0x40: {  	_ =	shalt  }

</sc_bundles>
